<compile_context>
chip_gen: v7x
topology: tpu7x:2x2x1
jax: 0.10.2.dev20260603
libtpu: 0.0.44.dev20260713+nightly
codegen_flags: <defaults>
</compile_context>

<pallas_src>
import functools

import jax
import jax.numpy as jnp
from jax import lax
from jax.experimental import pallas as pl
from jax.experimental.pallas import tpu as pltpu
from jax.experimental.pallas import tpu_sc as plsc

B = 8
N = 16384
S = 2048
L = 16
NC = 2
NS = 16
BIG = 1 << 30

TCB = 4
SCB = B - TCB
TPB = (NC * NS) // SCB
NPT = N // TPB
PR = 2
RT = TCB * PR
MT = N // PR



def _fps_sc_body(xs_hbm, ys_hbm, zs_hbm, out_hbm,
                 xv, yv, zv, dv, stage, comb, outrows, shared):
    c = lax.axis_index("c")
    s = lax.axis_index("s")
    batch = c * (SCB // NC) + s // TPB
    part = s % TPB
    base = part * NPT
    group = (s // TPB) * TPB

    pltpu.sync_copy(xs_hbm.at[batch, pl.ds(base, NPT)], xv)
    pltpu.sync_copy(ys_hbm.at[batch, pl.ds(base, NPT)], yv)
    pltpu.sync_copy(zs_hbm.at[batch, pl.ds(base, NPT)], zv)

    inf16 = jnp.full((L,), jnp.inf, dtype=jnp.float32)

    def fill(k, carry):
        dv[pl.ds(k * L, L)] = inf16
        return carry

    lax.fori_loop(0, NPT // L, fill, 0)

    pltpu.sync_copy(xs_hbm.at[batch, pl.ds(0, L)], stage)
    px0 = stage[...][0]
    pltpu.sync_copy(ys_hbm.at[batch, pl.ds(0, L)], stage)
    py0 = stage[...][0]
    pltpu.sync_copy(zs_hbm.at[batch, pl.ds(0, L)], stage)
    pz0 = stage[...][0]

    lane = lax.iota(jnp.int32, L)

    @pl.when(part == 0)
    def _():
        row0 = jnp.where(lane == 2, jnp.full((L,), px0, dtype=jnp.float32),
                         jnp.where(lane == 3,
                                   jnp.full((L,), py0, dtype=jnp.float32),
                                   jnp.full((L,), pz0, dtype=jnp.float32)))
        outrows[0] = row0

    gi_base = lane + base
    neginf16 = jnp.full((L,), -jnp.inf, dtype=jnp.float32)
    zero_i16 = jnp.zeros((L,), dtype=jnp.int32)

    def step(i, carry):
        px, py, pz = carry
        pxv = jnp.full((L,), px, dtype=jnp.float32)
        pyv = jnp.full((L,), py, dtype=jnp.float32)
        pzv = jnp.full((L,), pz, dtype=jnp.float32)

        def sweep(off, st):
            bv0, bi0, bv1, bi1 = st
            off1 = off + L
            dx0 = xv[pl.ds(off, L)] - pxv
            dy0 = yv[pl.ds(off, L)] - pyv
            dz0 = zv[pl.ds(off, L)] - pzv
            dx1 = xv[pl.ds(off1, L)] - pxv
            dy1 = yv[pl.ds(off1, L)] - pyv
            dz1 = zv[pl.ds(off1, L)] - pzv
            d0 = dx0 * dx0 + dz0 * dz0 + dy0 * dy0
            d1 = dx1 * dx1 + dz1 * dz1 + dy1 * dy1
            dn0 = jnp.minimum(dv[pl.ds(off, L)], d0)
            dn1 = jnp.minimum(dv[pl.ds(off1, L)], d1)
            dv[pl.ds(off, L)] = dn0
            dv[pl.ds(off1, L)] = dn1
            m0 = dn0 > bv0
            m1 = dn1 > bv1
            bv0 = jnp.where(m0, dn0, bv0)
            bi0 = jnp.where(m0, gi_base + off, bi0)
            bv1 = jnp.where(m1, dn1, bv1)
            bi1 = jnp.where(m1, gi_base + off1, bi1)
            return bv0, bi0, bv1, bi1

        bv0, bi0, bv1, bi1 = plsc.parallel_loop(
            0, NPT, step=2 * L, unroll=4,
            carry=(neginf16, zero_i16, neginf16, zero_i16))(sweep)

        bigv = jnp.full((L,), BIG, dtype=jnp.int32)
        bestv = jnp.maximum(bv0, bv1)
        besti = jnp.minimum(jnp.where(bv0 == bestv, bi0, bigv),
                            jnp.where(bv1 == bestv, bi1, bigv))

        vm = jnp.max(bestv)
        cand = jnp.where(bestv == jnp.full((L,), vm, dtype=jnp.float32),
                         besti, bigv)
        gidx = jnp.min(cand)
        liv = jnp.full((L,), gidx - base, dtype=jnp.int32)
        wx = plsc.load_gather(xv, [liv])
        wy = plsc.load_gather(yv, [liv])
        wz = plsc.load_gather(zv, [liv])

        gf = jnp.full((L,), gidx.astype(jnp.float32), dtype=jnp.float32)
        vmv = jnp.full((L,), vm, dtype=jnp.float32)
        stv = jnp.where(lane == 0, vmv,
                        jnp.where(lane == 1, gf,
                                  jnp.where(lane == 2, wx,
                                            jnp.where(lane == 3, wy, wz))))
        stage[...] = stv

        pltpu.sync_copy(stage, shared.at[s])
        plsc.subcore_barrier()
        pltpu.sync_copy(shared.at[pl.ds(group, TPB)], comb)

        w = comb[0]
        bv = w[0]
        for j in range(1, TPB):
            cj = comb[j]
            v = cj[0]
            better = v > bv
            bv = jnp.where(better, v, bv)
            w = jnp.where(better, cj, w)

        @pl.when(part == 0)
        def _():
            outrows[i] = w

        return w[2], w[3], w[4]

    lax.fori_loop(1, S, step, (px0, py0, pz0))

    @pl.when(part == 0)
    def _():
        pltpu.sync_copy(outrows, out_hbm.at[batch])


_fps_sc = functools.partial(
    pl.kernel,
    out_type=jax.ShapeDtypeStruct((SCB, S, L), jnp.float32),
    mesh=plsc.VectorSubcoreMesh(core_axis_name="c", subcore_axis_name="s",
                                num_cores=NC, num_subcores=NS),
    scratch_types=[
        pltpu.VMEM((NPT,), jnp.float32),
        pltpu.VMEM((NPT,), jnp.float32),
        pltpu.VMEM((NPT,), jnp.float32),
        pltpu.VMEM((NPT,), jnp.float32),
        pltpu.VMEM((L,), jnp.float32),
        pltpu.VMEM((TPB, L), jnp.float32),
        pltpu.VMEM((S, L), jnp.float32),
        pltpu.VMEM_SHARED((NS, L), jnp.float32),
    ],
    compiler_params=pltpu.CompilerParams(needs_layout_passes=False,
                                         use_tc_tiling_on_sc=False),
)(_fps_sc_body)



def _fps_tc_body(xs_ref, ys_ref, zs_ref, out_ref, dists_ref,
                 ax_ref, ay_ref, az_ref):
    col = lax.broadcasted_iota(jnp.int32, (RT, MT), 1)
    parity = lax.broadcasted_iota(jnp.int32, (RT, 1), 0) % PR
    even = parity == 0
    glob = col + parity * MT
    col128 = lax.broadcasted_iota(jnp.int32, (RT, 128), 1)

    def paircomb(a, op):
        partner = jnp.where(even, pltpu.roll(a, RT - 1, 0),
                            pltpu.roll(a, 1, 0))
        return op(a, partner)

    def coords_at(gr):
        mask = glob == gr
        zero = jnp.zeros((RT, MT), dtype=jnp.float32)
        px = paircomb(jnp.sum(jnp.where(mask, xs_ref[...], zero),
                              axis=1, keepdims=True), jnp.add)
        py = paircomb(jnp.sum(jnp.where(mask, ys_ref[...], zero),
                              axis=1, keepdims=True), jnp.add)
        pz = paircomb(jnp.sum(jnp.where(mask, zs_ref[...], zero),
                              axis=1, keepdims=True), jnp.add)
        return px, py, pz

    def emit(i, px, py, pz):
        ibase = pl.multiple_of((i // 128) * 128, 128)
        m = col128 == (i - ibase)
        ax_ref[:, pl.ds(ibase, 128)] = jnp.where(
            m, px, ax_ref[:, pl.ds(ibase, 128)])
        ay_ref[:, pl.ds(ibase, 128)] = jnp.where(
            m, py, ay_ref[:, pl.ds(ibase, 128)])
        az_ref[:, pl.ds(ibase, 128)] = jnp.where(
            m, pz, az_ref[:, pl.ds(ibase, 128)])

    dists_ref[...] = jnp.full((RT, MT), jnp.inf, dtype=jnp.float32)

    g0 = jnp.zeros((RT, 1), dtype=jnp.int32)
    px, py, pz = coords_at(g0)
    emit(0, px, py, pz)

    def step(i, carry):
        px, py, pz = carry
        dx = xs_ref[...] - px
        dy = ys_ref[...] - py
        dz = zs_ref[...] - pz
        d = dx * dx + dz * dz + dy * dy
        dn = jnp.minimum(dists_ref[...], d)
        dists_ref[...] = dn
        rm = jnp.max(dn, axis=1, keepdims=True)
        bm = paircomb(rm, jnp.maximum)
        cand = jnp.where(dn == bm, glob,
                         jnp.full((RT, MT), BIG, dtype=jnp.int32))
        gi = paircomb(jnp.min(cand, axis=1, keepdims=True), jnp.minimum)
        px, py, pz = coords_at(gi)
        emit(i, px, py, pz)
        return px, py, pz

    lax.fori_loop(1, S, step, (px, py, pz))

    out_ref[0] = ax_ref[...]
    out_ref[1] = ay_ref[...]
    out_ref[2] = az_ref[...]


_fps_tc = pl.pallas_call(
    _fps_tc_body,
    out_shape=jax.ShapeDtypeStruct((3, RT, S), jnp.float32),
    scratch_shapes=[pltpu.VMEM((RT, MT), jnp.float32),
                    pltpu.VMEM((RT, S), jnp.float32),
                    pltpu.VMEM((RT, S), jnp.float32),
                    pltpu.VMEM((RT, S), jnp.float32)],
    cost_estimate=pl.CostEstimate(flops=3_000_000_000,
                                  bytes_accessed=2_000_000_000,
                                  transcendentals=0),
)


@jax.jit
def kernel(point_coord, features):
    del features
    xs = point_coord[:, :, 0]
    ys = point_coord[:, :, 1]
    zs = point_coord[:, :, 2]
    sc = _fps_sc(xs[TCB:], ys[TCB:], zs[TCB:])
    tc = _fps_tc(xs[:TCB].reshape(RT, MT), ys[:TCB].reshape(RT, MT),
                 zs[:TCB].reshape(RT, MT))
    tc_b = jnp.transpose(tc[:, ::PR, :], (1, 2, 0))
    return jnp.concatenate([tc_b, sc[:, :, 2:5]], axis=0)

# --- scband reference (transcript-rebuilt; emitter-appended) ---
"""Pipeline reference for scband-set-abstraction-layer-5763846111843 (READ-ONLY COPY).

The authoritative reference and input builder live on the scoring server;
editing this copy changes nothing except your own understanding.
"""

import jax, jax.numpy as jnp
import numpy as np

NUM_SAMPLE = 2048


def farthest_point_sampling(coords, num_sample):
    # coords: (B, N, 3). Returns (B, num_sample) int32 indices.
    B, N, _ = coords.shape
    indices = jnp.zeros((B, num_sample), dtype=jnp.int32)
    dists = jnp.full((B, N), jnp.inf, dtype=coords.dtype)
    last = jnp.zeros((B,), dtype=jnp.int32)
    indices = indices.at[:, 0].set(last)

    def body(i, state):
        indices, dists, last = state
        last_pt = coords[jnp.arange(B), last]  # (B, 3)
        d = jnp.sum((coords - last_pt[:, None, :]) ** 2, axis=-1)  # (B, N)
        dists = jnp.minimum(dists, d)
        nxt = jnp.argmax(dists, axis=-1).astype(jnp.int32)
        indices = indices.at[:, i].set(nxt)
        return (indices, dists, nxt)

    indices, dists, last = jax.lax.fori_loop(1, num_sample, body, (indices, dists, last))
    return indices


def gather_points(points, indices):
    # points: (B, N, C), indices: (B, M) -> (B, M, C)
    B = points.shape[0]
    return points[jnp.arange(B)[:, None], indices]


def setup_inputs(seed: int = 0) -> dict:
    key = jax.random.key(seed)
    k1, k2 = jax.random.split(key)
    point_coord = jax.random.normal(k1, (8, 16384, 3), dtype=jnp.float32)
    features = jax.random.normal(k2, (8, 16384, 128), dtype=jnp.float32)
    return {"point_coord": point_coord, "features": features}


def reference(point_coord, features):
    # Sampling layer: farthest point sampling (indices are non-differentiable)
    centroid_indices = jax.lax.stop_gradient(
        farthest_point_sampling(point_coord, NUM_SAMPLE)
    )
    # Gather layer: slice point cloud at sampled indices
    centroid_coord = gather_points(point_coord, centroid_indices)
    return centroid_coord

if __name__ == "__main__":
    import jax
    _d = setup_inputs()
    print(jax.jit(kernel)(*tuple(_d.values())))

</pallas_src>

<mosaic_0001>
#map = affine_map<(d0, d1) -> (0, 0)>
#map1 = affine_map<(d0, d1) -> (0, 0, 0)>
module attributes {stable_mosaic.version = 14 : i64} {
  func.func @_fps_sc_body(%arg0: i32, %arg1: i32, %arg2: memref<4x16384xf32, #tpu.memory_space<hbm>>, %arg3: memref<4x16384xf32, #tpu.memory_space<hbm>>, %arg4: memref<4x16384xf32, #tpu.memory_space<hbm>>, %arg5: memref<4x2048x16xf32, #tpu.memory_space<hbm>>, %arg6: memref<2048xf32, #tpu.memory_space<vmem>>, %arg7: memref<2048xf32, #tpu.memory_space<vmem>>, %arg8: memref<2048xf32, #tpu.memory_space<vmem>>, %arg9: memref<2048xf32, #tpu.memory_space<vmem>>, %arg10: memref<16xf32, #tpu.memory_space<vmem>>, %arg11: memref<8x16xf32, #tpu.memory_space<vmem>>, %arg12: memref<2048x16xf32, #tpu.memory_space<vmem>>, %arg13: memref<16x16xf32, #tpu.memory_space<vmem_shared>>) attributes {dimension_semantics = [#tpu.dimension_semantics<core_parallel>, #tpu.dimension_semantics<subcore_parallel>], iteration_bounds = array<i64: 2, 16>, scalar_prefetch = 0 : i64, scratch_operands = 8 : i64, tpu.core_type = #tpu.core_type<sc_vector_subcore>, window_params = [{transform_indices = #map}, {transform_indices = #map}, {transform_indices = #map}, {transform_indices = #map1}]} {
    %mul3A = arith.constant 2 : i32
    %mul3A_0 = arith.muli %arg0, %mul3A : i32
    %jit3A = arith.constant 8 : i32
    %div3A = arith.divsi %arg1, %jit3A : i32
    %sign3A = arith.constant 0 : i32
    %sign3A_1 = arith.cmpi sgt, %arg1, %sign3A : i32
    %sign3A_2 = arith.extui %sign3A_1 : i1 to i32
    %sign3A_3 = arith.constant 0 : i32
    %sign3A_4 = arith.cmpi slt, %arg1, %sign3A_3 : i32
    %sign3A_5 = arith.extui %sign3A_4 : i1 to i32
    %sign3A_6 = arith.subi %sign3A_2, %sign3A_5 : i32
    %sign3A_7 = arith.constant 0 : i32
    %sign3A_8 = arith.cmpi sgt, %jit3A, %sign3A_7 : i32
    %sign3A_9 = arith.extui %sign3A_8 : i1 to i32
    %sign3A_10 = arith.constant 0 : i32
    %sign3A_11 = arith.cmpi slt, %jit3A, %sign3A_10 : i32
    %sign3A_12 = arith.extui %sign3A_11 : i1 to i32
    %sign3A_13 = arith.subi %sign3A_9, %sign3A_12 : i32
    %ne3A = arith.cmpi ne, %sign3A_6, %sign3A_13 : i32
    %rem3A = arith.remsi %arg1, %jit3A : i32
    %ne3A_14 = arith.constant 0 : i32
    %ne3A_15 = arith.cmpi ne, %rem3A, %ne3A_14 : i32
    %and3A = arith.andi %ne3A, %ne3A_15 : i1
    %sub3A = arith.constant 1 : i32
    %sub3A_16 = arith.subi %div3A, %sub3A : i32
    %select_n3A = arith.select %and3A, %sub3A_16, %div3A : i32
    %add3A = arith.addi %mul3A_0, %select_n3A : i32
    %jit3A_17 = arith.constant 8 : i32
    %eq3A = arith.constant 0 : i32
    %eq3A_18 = arith.cmpi eq, %jit3A_17, %eq3A : i32
    %jit3A_19 = arith.constant 1 : i32
    %select_n3A_20 = arith.select %eq3A_18, %jit3A_19, %jit3A_17 : i32
    %rem3A_21 = arith.remsi %arg1, %select_n3A_20 : i32
    %ne3A_22 = arith.constant 0 : i32
    %ne3A_23 = arith.cmpi ne, %rem3A_21, %ne3A_22 : i32
    %lt3A = arith.constant 0 : i32
    %lt3A_24 = arith.cmpi slt, %rem3A_21, %lt3A : i32
    %lt3A_25 = arith.constant 0 : i32
    %lt3A_26 = arith.cmpi slt, %select_n3A_20, %lt3A_25 : i32
    %ne3A_27 = arith.xori %lt3A_24, %lt3A_26 : i1
    %and3A_28 = arith.andi %ne3A_27, %ne3A_23 : i1
    %add3A_29 = arith.addi %rem3A_21, %select_n3A_20 : i32
    %select_n3A_30 = arith.select %and3A_28, %add3A_29, %rem3A_21 : i32
    %mul3A_31 = arith.constant 2048 : i32
    %mul3A_32 = arith.muli %select_n3A_30, %mul3A_31 : i32
    %jit3A_33 = arith.constant 8 : i32
    %div3A_34 = arith.divsi %arg1, %jit3A_33 : i32
    %sign3A_35 = arith.constant 0 : i32
    %sign3A_36 = arith.cmpi sgt, %arg1, %sign3A_35 : i32
    %sign3A_37 = arith.extui %sign3A_36 : i1 to i32
    %sign3A_38 = arith.constant 0 : i32
    %sign3A_39 = arith.cmpi slt, %arg1, %sign3A_38 : i32
    %sign3A_40 = arith.extui %sign3A_39 : i1 to i32
    %sign3A_41 = arith.subi %sign3A_37, %sign3A_40 : i32
    %sign3A_42 = arith.constant 0 : i32
    %sign3A_43 = arith.cmpi sgt, %jit3A_33, %sign3A_42 : i32
    %sign3A_44 = arith.extui %sign3A_43 : i1 to i32
    %sign3A_45 = arith.constant 0 : i32
    %sign3A_46 = arith.cmpi slt, %jit3A_33, %sign3A_45 : i32
    %sign3A_47 = arith.extui %sign3A_46 : i1 to i32
    %sign3A_48 = arith.subi %sign3A_44, %sign3A_47 : i32
    %ne3A_49 = arith.cmpi ne, %sign3A_41, %sign3A_48 : i32
    %rem3A_50 = arith.remsi %arg1, %jit3A_33 : i32
    %ne3A_51 = arith.constant 0 : i32
    %ne3A_52 = arith.cmpi ne, %rem3A_50, %ne3A_51 : i32
    %and3A_53 = arith.andi %ne3A_49, %ne3A_52 : i1
    %sub3A_54 = arith.constant 1 : i32
    %sub3A_55 = arith.subi %div3A_34, %sub3A_54 : i32
    %select_n3A_56 = arith.select %and3A_53, %sub3A_55, %div3A_34 : i32
    %mul3A_57 = arith.constant 8 : i32
    %mul3A_58 = arith.muli %select_n3A_56, %mul3A_57 : i32
    "tpu.region"() ({
      %run_scoped3A = tpu.sem_alloc : memref<!tpu.dma_semaphore, #tpu.memory_space<semaphore_mem>>
      %dma_start3A = tpu.memref_slice %arg2[%add3A, %mul3A_32] : memref<4x16384xf32, #tpu.memory_space<hbm>> -> memref<1x2048xf32, #tpu.memory_space<hbm>>
      %dma_start3A_94 = tpu.memref_squeeze %dma_start3A : memref<1x2048xf32, #tpu.memory_space<hbm>> -> memref<2048xf32, #tpu.memory_space<hbm>>
      %dma_start3A_95 = tpu.memref_slice %arg2[%add3A, %mul3A_32] : memref<4x16384xf32, #tpu.memory_space<hbm>> -> memref<1x2048xf32, #tpu.memory_space<hbm>>
      %dma_start3A_96 = tpu.memref_squeeze %dma_start3A_95 : memref<1x2048xf32, #tpu.memory_space<hbm>> -> memref<2048xf32, #tpu.memory_space<hbm>>
      tpu.enqueue_dma source(%dma_start3A_96 : memref<2048xf32, #tpu.memory_space<hbm>>) target(%arg6 : memref<2048xf32, #tpu.memory_space<vmem>>) target_semaphore(%run_scoped3A : memref<!tpu.dma_semaphore, #tpu.memory_space<semaphore_mem>>)
      %dma_wait3A = tpu.memref_slice %arg2[%add3A, %mul3A_32] : memref<4x16384xf32, #tpu.memory_space<hbm>> -> memref<1x2048xf32, #tpu.memory_space<hbm>>
      %dma_wait3A_97 = tpu.memref_squeeze %dma_wait3A : memref<1x2048xf32, #tpu.memory_space<hbm>> -> memref<2048xf32, #tpu.memory_space<hbm>>
      %dma_wait3A_98 = tpu.memref_slice %arg2[%add3A, %mul3A_32] : memref<4x16384xf32, #tpu.memory_space<hbm>> -> memref<1x2048xf32, #tpu.memory_space<hbm>>
      %dma_wait3A_99 = tpu.memref_squeeze %dma_wait3A_98 : memref<1x2048xf32, #tpu.memory_space<hbm>> -> memref<2048xf32, #tpu.memory_space<hbm>>
      tpu.wait_dma2 semaphore(%run_scoped3A : memref<!tpu.dma_semaphore, #tpu.memory_space<semaphore_mem>>) src(%dma_wait3A_99 : memref<2048xf32, #tpu.memory_space<hbm>>) dst(%arg6 : memref<2048xf32, #tpu.memory_space<vmem>>)
      tpu.yield
    }) : () -> ()
    "tpu.region"() ({
      %run_scoped3A = tpu.sem_alloc : memref<!tpu.dma_semaphore, #tpu.memory_space<semaphore_mem>>
      %dma_start3A = tpu.memref_slice %arg3[%add3A, %mul3A_32] : memref<4x16384xf32, #tpu.memory_space<hbm>> -> memref<1x2048xf32, #tpu.memory_space<hbm>>
      %dma_start3A_94 = tpu.memref_squeeze %dma_start3A : memref<1x2048xf32, #tpu.memory_space<hbm>> -> memref<2048xf32, #tpu.memory_space<hbm>>
      %dma_start3A_95 = tpu.memref_slice %arg3[%add3A, %mul3A_32] : memref<4x16384xf32, #tpu.memory_space<hbm>> -> memref<1x2048xf32, #tpu.memory_space<hbm>>
      %dma_start3A_96 = tpu.memref_squeeze %dma_start3A_95 : memref<1x2048xf32, #tpu.memory_space<hbm>> -> memref<2048xf32, #tpu.memory_space<hbm>>
      tpu.enqueue_dma source(%dma_start3A_96 : memref<2048xf32, #tpu.memory_space<hbm>>) target(%arg7 : memref<2048xf32, #tpu.memory_space<vmem>>) target_semaphore(%run_scoped3A : memref<!tpu.dma_semaphore, #tpu.memory_space<semaphore_mem>>)
      %dma_wait3A = tpu.memref_slice %arg3[%add3A, %mul3A_32] : memref<4x16384xf32, #tpu.memory_space<hbm>> -> memref<1x2048xf32, #tpu.memory_space<hbm>>
      %dma_wait3A_97 = tpu.memref_squeeze %dma_wait3A : memref<1x2048xf32, #tpu.memory_space<hbm>> -> memref<2048xf32, #tpu.memory_space<hbm>>
      %dma_wait3A_98 = tpu.memref_slice %arg3[%add3A, %mul3A_32] : memref<4x16384xf32, #tpu.memory_space<hbm>> -> memref<1x2048xf32, #tpu.memory_space<hbm>>
      %dma_wait3A_99 = tpu.memref_squeeze %dma_wait3A_98 : memref<1x2048xf32, #tpu.memory_space<hbm>> -> memref<2048xf32, #tpu.memory_space<hbm>>
      tpu.wait_dma2 semaphore(%run_scoped3A : memref<!tpu.dma_semaphore, #tpu.memory_space<semaphore_mem>>) src(%dma_wait3A_99 : memref<2048xf32, #tpu.memory_space<hbm>>) dst(%arg7 : memref<2048xf32, #tpu.memory_space<vmem>>)
      tpu.yield
    }) : () -> ()
    "tpu.region"() ({
      %run_scoped3A = tpu.sem_alloc : memref<!tpu.dma_semaphore, #tpu.memory_space<semaphore_mem>>
      %dma_start3A = tpu.memref_slice %arg4[%add3A, %mul3A_32] : memref<4x16384xf32, #tpu.memory_space<hbm>> -> memref<1x2048xf32, #tpu.memory_space<hbm>>
      %dma_start3A_94 = tpu.memref_squeeze %dma_start3A : memref<1x2048xf32, #tpu.memory_space<hbm>> -> memref<2048xf32, #tpu.memory_space<hbm>>
      %dma_start3A_95 = tpu.memref_slice %arg4[%add3A, %mul3A_32] : memref<4x16384xf32, #tpu.memory_space<hbm>> -> memref<1x2048xf32, #tpu.memory_space<hbm>>
      %dma_start3A_96 = tpu.memref_squeeze %dma_start3A_95 : memref<1x2048xf32, #tpu.memory_space<hbm>> -> memref<2048xf32, #tpu.memory_space<hbm>>
      tpu.enqueue_dma source(%dma_start3A_96 : memref<2048xf32, #tpu.memory_space<hbm>>) target(%arg8 : memref<2048xf32, #tpu.memory_space<vmem>>) target_semaphore(%run_scoped3A : memref<!tpu.dma_semaphore, #tpu.memory_space<semaphore_mem>>)
      %dma_wait3A = tpu.memref_slice %arg4[%add3A, %mul3A_32] : memref<4x16384xf32, #tpu.memory_space<hbm>> -> memref<1x2048xf32, #tpu.memory_space<hbm>>
      %dma_wait3A_97 = tpu.memref_squeeze %dma_wait3A : memref<1x2048xf32, #tpu.memory_space<hbm>> -> memref<2048xf32, #tpu.memory_space<hbm>>
      %dma_wait3A_98 = tpu.memref_slice %arg4[%add3A, %mul3A_32] : memref<4x16384xf32, #tpu.memory_space<hbm>> -> memref<1x2048xf32, #tpu.memory_space<hbm>>
      %dma_wait3A_99 = tpu.memref_squeeze %dma_wait3A_98 : memref<1x2048xf32, #tpu.memory_space<hbm>> -> memref<2048xf32, #tpu.memory_space<hbm>>
      tpu.wait_dma2 semaphore(%run_scoped3A : memref<!tpu.dma_semaphore, #tpu.memory_space<semaphore_mem>>) src(%dma_wait3A_99 : memref<2048xf32, #tpu.memory_space<hbm>>) dst(%arg8 : memref<2048xf32, #tpu.memory_space<vmem>>)
      tpu.yield
    }) : () -> ()
    %broadcast_in_dim3A = arith.constant 0x7F800000 : f32
    %broadcast_in_dim3A_59 = vector.broadcast %broadcast_in_dim3A : f32 to vector<16xf32>
    %scan3A = arith.constant 0 : i32
    %scan3A_60 = arith.constant 0 : i32
    %scan3A_61 = arith.constant 128 : i32
    %scan3A_62 = arith.addi %scan3A_60, %scan3A_61 : i32
    %scan3A_63 = arith.constant 1 : i32
    scf.for %scan3A_94 = %scan3A_60 to %scan3A_62 step %scan3A_63  : i32 {
      %mul3A_95 = arith.constant 16 : i32
      %mul3A_96 = arith.muli %scan3A_94, %mul3A_95 : i32
      %swap3A = arith.index_cast %mul3A_96 : i32 to index
      %swap3A_97 = tpu.vector_load %arg9[%swap3A] {strides = array<i32>} : memref<2048xf32, #tpu.memory_space<vmem>>, vector<16xf32>,
      tpu.vector_store %arg9[%swap3A], %broadcast_in_dim3A_59 {strides = array<i32>} : memref<2048xf32, #tpu.memory_space<vmem>>, vector<16xf32>,
    }
    %scan3A_64 = arith.constant 128 : i32
    "tpu.region"() ({
      %run_scoped3A = tpu.sem_alloc : memref<!tpu.dma_semaphore, #tpu.memory_space<semaphore_mem>>
      %dma_start3A = arith.constant 0 : i32
      %dma_start3A_94 = tpu.memref_slice %arg2[%add3A, %dma_start3A] : memref<4x16384xf32, #tpu.memory_space<hbm>> -> memref<1x16xf32, #tpu.memory_space<hbm>>
      %dma_start3A_95 = tpu.memref_squeeze %dma_start3A_94 : memref<1x16xf32, #tpu.memory_space<hbm>> -> memref<16xf32, #tpu.memory_space<hbm>>
      %dma_start3A_96 = arith.constant 0 : i32
      %dma_start3A_97 = tpu.memref_slice %arg2[%add3A, %dma_start3A_96] : memref<4x16384xf32, #tpu.memory_space<hbm>> -> memref<1x16xf32, #tpu.memory_space<hbm>>
      %dma_start3A_98 = tpu.memref_squeeze %dma_start3A_97 : memref<1x16xf32, #tpu.memory_space<hbm>> -> memref<16xf32, #tpu.memory_space<hbm>>
      tpu.enqueue_dma source(%dma_start3A_98 : memref<16xf32, #tpu.memory_space<hbm>>) target(%arg10 : memref<16xf32, #tpu.memory_space<vmem>>) target_semaphore(%run_scoped3A : memref<!tpu.dma_semaphore, #tpu.memory_space<semaphore_mem>>)
      %dma_wait3A = arith.constant 0 : i32
      %dma_wait3A_99 = tpu.memref_slice %arg2[%add3A, %dma_wait3A] : memref<4x16384xf32, #tpu.memory_space<hbm>> -> memref<1x16xf32, #tpu.memory_space<hbm>>
      %dma_wait3A_100 = tpu.memref_squeeze %dma_wait3A_99 : memref<1x16xf32, #tpu.memory_space<hbm>> -> memref<16xf32, #tpu.memory_space<hbm>>
      %dma_wait3A_101 = arith.constant 0 : i32
      %dma_wait3A_102 = tpu.memref_slice %arg2[%add3A, %dma_wait3A_101] : memref<4x16384xf32, #tpu.memory_space<hbm>> -> memref<1x16xf32, #tpu.memory_space<hbm>>
      %dma_wait3A_103 = tpu.memref_squeeze %dma_wait3A_102 : memref<1x16xf32, #tpu.memory_space<hbm>> -> memref<16xf32, #tpu.memory_space<hbm>>
      tpu.wait_dma2 semaphore(%run_scoped3A : memref<!tpu.dma_semaphore, #tpu.memory_space<semaphore_mem>>) src(%dma_wait3A_103 : memref<16xf32, #tpu.memory_space<hbm>>) dst(%arg10 : memref<16xf32, #tpu.memory_space<vmem>>)
      tpu.yield
    }) : () -> ()
    %get3A = arith.constant 0 : index
    %get3A_65 = tpu.vector_load %arg10[%get3A] {strides = array<i32>} : memref<16xf32, #tpu.memory_space<vmem>>, vector<16xf32>,
    %slice3A = vector.extract_strided_slice %get3A_65 {offsets = [0], sizes = [1], strides = [1]} : vector<16xf32> to vector<1xf32>
    %squeeze3A = vector.extract %slice3A[0] : f32 from vector<1xf32>
    "tpu.region"() ({
      %run_scoped3A = tpu.sem_alloc : memref<!tpu.dma_semaphore, #tpu.memory_space<semaphore_mem>>
      %dma_start3A = arith.constant 0 : i32
      %dma_start3A_94 = tpu.memref_slice %arg3[%add3A, %dma_start3A] : memref<4x16384xf32, #tpu.memory_space<hbm>> -> memref<1x16xf32, #tpu.memory_space<hbm>>
      %dma_start3A_95 = tpu.memref_squeeze %dma_start3A_94 : memref<1x16xf32, #tpu.memory_space<hbm>> -> memref<16xf32, #tpu.memory_space<hbm>>
      %dma_start3A_96 = arith.constant 0 : i32
      %dma_start3A_97 = tpu.memref_slice %arg3[%add3A, %dma_start3A_96] : memref<4x16384xf32, #tpu.memory_space<hbm>> -> memref<1x16xf32, #tpu.memory_space<hbm>>
      %dma_start3A_98 = tpu.memref_squeeze %dma_start3A_97 : memref<1x16xf32, #tpu.memory_space<hbm>> -> memref<16xf32, #tpu.memory_space<hbm>>
      tpu.enqueue_dma source(%dma_start3A_98 : memref<16xf32, #tpu.memory_space<hbm>>) target(%arg10 : memref<16xf32, #tpu.memory_space<vmem>>) target_semaphore(%run_scoped3A : memref<!tpu.dma_semaphore, #tpu.memory_space<semaphore_mem>>)
      %dma_wait3A = arith.constant 0 : i32
      %dma_wait3A_99 = tpu.memref_slice %arg3[%add3A, %dma_wait3A] : memref<4x16384xf32, #tpu.memory_space<hbm>> -> memref<1x16xf32, #tpu.memory_space<hbm>>
      %dma_wait3A_100 = tpu.memref_squeeze %dma_wait3A_99 : memref<1x16xf32, #tpu.memory_space<hbm>> -> memref<16xf32, #tpu.memory_space<hbm>>
      %dma_wait3A_101 = arith.constant 0 : i32
      %dma_wait3A_102 = tpu.memref_slice %arg3[%add3A, %dma_wait3A_101] : memref<4x16384xf32, #tpu.memory_space<hbm>> -> memref<1x16xf32, #tpu.memory_space<hbm>>
      %dma_wait3A_103 = tpu.memref_squeeze %dma_wait3A_102 : memref<1x16xf32, #tpu.memory_space<hbm>> -> memref<16xf32, #tpu.memory_space<hbm>>
      tpu.wait_dma2 semaphore(%run_scoped3A : memref<!tpu.dma_semaphore, #tpu.memory_space<semaphore_mem>>) src(%dma_wait3A_103 : memref<16xf32, #tpu.memory_space<hbm>>) dst(%arg10 : memref<16xf32, #tpu.memory_space<vmem>>)
      tpu.yield
    }) : () -> ()
    %get3A_66 = arith.constant 0 : index
    %get3A_67 = tpu.vector_load %arg10[%get3A_66] {strides = array<i32>} : memref<16xf32, #tpu.memory_space<vmem>>, vector<16xf32>,
    %slice3A_68 = vector.extract_strided_slice %get3A_67 {offsets = [0], sizes = [1], strides = [1]} : vector<16xf32> to vector<1xf32>
    %squeeze3A_69 = vector.extract %slice3A_68[0] : f32 from vector<1xf32>
    "tpu.region"() ({
      %run_scoped3A = tpu.sem_alloc : memref<!tpu.dma_semaphore, #tpu.memory_space<semaphore_mem>>
      %dma_start3A = arith.constant 0 : i32
      %dma_start3A_94 = tpu.memref_slice %arg4[%add3A, %dma_start3A] : memref<4x16384xf32, #tpu.memory_space<hbm>> -> memref<1x16xf32, #tpu.memory_space<hbm>>
      %dma_start3A_95 = tpu.memref_squeeze %dma_start3A_94 : memref<1x16xf32, #tpu.memory_space<hbm>> -> memref<16xf32, #tpu.memory_space<hbm>>
      %dma_start3A_96 = arith.constant 0 : i32
      %dma_start3A_97 = tpu.memref_slice %arg4[%add3A, %dma_start3A_96] : memref<4x16384xf32, #tpu.memory_space<hbm>> -> memref<1x16xf32, #tpu.memory_space<hbm>>
      %dma_start3A_98 = tpu.memref_squeeze %dma_start3A_97 : memref<1x16xf32, #tpu.memory_space<hbm>> -> memref<16xf32, #tpu.memory_space<hbm>>
      tpu.enqueue_dma source(%dma_start3A_98 : memref<16xf32, #tpu.memory_space<hbm>>) target(%arg10 : memref<16xf32, #tpu.memory_space<vmem>>) target_semaphore(%run_scoped3A : memref<!tpu.dma_semaphore, #tpu.memory_space<semaphore_mem>>)
      %dma_wait3A = arith.constant 0 : i32
      %dma_wait3A_99 = tpu.memref_slice %arg4[%add3A, %dma_wait3A] : memref<4x16384xf32, #tpu.memory_space<hbm>> -> memref<1x16xf32, #tpu.memory_space<hbm>>
      %dma_wait3A_100 = tpu.memref_squeeze %dma_wait3A_99 : memref<1x16xf32, #tpu.memory_space<hbm>> -> memref<16xf32, #tpu.memory_space<hbm>>
      %dma_wait3A_101 = arith.constant 0 : i32
      %dma_wait3A_102 = tpu.memref_slice %arg4[%add3A, %dma_wait3A_101] : memref<4x16384xf32, #tpu.memory_space<hbm>> -> memref<1x16xf32, #tpu.memory_space<hbm>>
      %dma_wait3A_103 = tpu.memref_squeeze %dma_wait3A_102 : memref<1x16xf32, #tpu.memory_space<hbm>> -> memref<16xf32, #tpu.memory_space<hbm>>
      tpu.wait_dma2 semaphore(%run_scoped3A : memref<!tpu.dma_semaphore, #tpu.memory_space<semaphore_mem>>) src(%dma_wait3A_103 : memref<16xf32, #tpu.memory_space<hbm>>) dst(%arg10 : memref<16xf32, #tpu.memory_space<vmem>>)
      tpu.yield
    }) : () -> ()
    %get3A_70 = arith.constant 0 : index
    %get3A_71 = tpu.vector_load %arg10[%get3A_70] {strides = array<i32>} : memref<16xf32, #tpu.memory_space<vmem>>, vector<16xf32>,
    %slice3A_72 = vector.extract_strided_slice %get3A_71 {offsets = [0], sizes = [1], strides = [1]} : vector<16xf32> to vector<1xf32>
    %squeeze3A_73 = vector.extract %slice3A_72[0] : f32 from vector<1xf32>
    %iota3A = tpu.iota {dimensions = array<i32: 0>} : vector<16xi32>
    %eq3A_74 = arith.constant 0 : i32
    %eq3A_75 = arith.cmpi eq, %select_n3A_30, %eq3A_74 : i32
    %convert_element_type3A = arith.extui %eq3A_75 : i1 to i32
    %cond3A = arith.constant 0 : i32
    %cond3A_76 = arith.cmpi ne, %convert_element_type3A, %cond3A : i32
    scf.if %cond3A_76 {
      %eq3A_94 = arith.constant 2 : i32
      %eq3A_95 = vector.broadcast %eq3A_94 : i32 to vector<16xi32>
      %eq3A_96 = arith.cmpi eq, %iota3A, %eq3A_95 : vector<16xi32>
      %broadcast_in_dim3A_97 = vector.broadcast %squeeze3A : f32 to vector<16xf32>
      %eq3A_98 = arith.constant 3 : i32
      %eq3A_99 = vector.broadcast %eq3A_98 : i32 to vector<16xi32>
      %eq3A_100 = arith.cmpi eq, %iota3A, %eq3A_99 : vector<16xi32>
      %broadcast_in_dim3A_101 = vector.broadcast %squeeze3A_69 : f32 to vector<16xf32>
      %broadcast_in_dim3A_102 = vector.broadcast %squeeze3A_73 : f32 to vector<16xf32>
      %select_n3A_103 = arith.select %eq3A_100, %broadcast_in_dim3A_101, %broadcast_in_dim3A_102 : vector<16xi1>, vector<16xf32>
      %select_n3A_104 = arith.select %eq3A_96, %broadcast_in_dim3A_97, %select_n3A_103 : vector<16xi1>, vector<16xf32>
      %swap3A = arith.constant 0 : i32
      %swap3A_105 = arith.index_cast %swap3A : i32 to index
      %swap3A_106 = arith.constant 0 : index
      %swap3A_107 = tpu.vector_load %arg12[%swap3A_105, %swap3A_106] {strides = array<i32>} : memref<2048x16xf32, #tpu.memory_space<vmem>>, vector<16xf32>,
      tpu.vector_store %arg12[%swap3A_105, %swap3A_106], %select_n3A_104 {strides = array<i32>} : memref<2048x16xf32, #tpu.memory_space<vmem>>, vector<16xf32>,
    } else {
    }
    %add3A_77 = vector.broadcast %mul3A_32 : i32 to vector<16xi32>
    %add3A_78 = arith.addi %iota3A, %add3A_77 : vector<16xi32>
    %broadcast_in_dim3A_79 = arith.constant 0xFF800000 : f32
    %broadcast_in_dim3A_80 = vector.broadcast %broadcast_in_dim3A_79 : f32 to vector<16xf32>
    %broadcast_in_dim3A_81 = arith.constant 0 : i32
    %broadcast_in_dim3A_82 = vector.broadcast %broadcast_in_dim3A_81 : i32 to vector<16xi32>
    %scan3A_83 = arith.constant 1 : i32
    %scan3A_84 = arith.constant 2047 : i32
    %scan3A_85 = arith.addi %scan3A_83, %scan3A_84 : i32
    %scan3A_86 = arith.constant 1 : i32
    %scan3A_87:3 = scf.for %scan3A_94 = %scan3A_83 to %scan3A_85 step %scan3A_86 iter_args(%scan3A_95 = %squeeze3A, %scan3A_96 = %squeeze3A_69, %scan3A_97 = %squeeze3A_73) -> (f32, f32, f32)  : i32 {
      %broadcast_in_dim3A_98 = vector.broadcast %scan3A_95 : f32 to vector<16xf32>
      %broadcast_in_dim3A_99 = vector.broadcast %scan3A_96 : f32 to vector<16xf32>
      %broadcast_in_dim3A_100 = vector.broadcast %scan3A_97 : f32 to vector<16xf32>
      %parallel_loop3A = arith.constant 0 : i32
      %parallel_loop3A_101 = arith.constant 2048 : i32
      %parallel_loop3A_102 = arith.constant 32 : i32
      %parallel_loop3A_103:4 = scf.for %parallel_loop3A_226 = %parallel_loop3A to %parallel_loop3A_101 step %parallel_loop3A_102 iter_args(%parallel_loop3A_227 = %broadcast_in_dim3A_80, %parallel_loop3A_228 = %broadcast_in_dim3A_82, %parallel_loop3A_229 = %broadcast_in_dim3A_80, %parallel_loop3A_230 = %broadcast_in_dim3A_82) -> (vector<16xf32>, vector<16xi32>, vector<16xf32>, vector<16xi32>)  : i32 {
        %parallel_loop3A_231 = arith.constant 16 : i32
        %parallel_loop3A_232 = arith.addi %parallel_loop3A_226, %parallel_loop3A_231 : i32
        %parallel_loop3A_233 = arith.index_cast %parallel_loop3A_226 : i32 to index
        %parallel_loop3A_234 = tpu.vector_load %arg6[%parallel_loop3A_233] {strides = array<i32>} : memref<2048xf32, #tpu.memory_space<vmem>>, vector<16xf32>,
        %parallel_loop3A_235 = arith.subf %parallel_loop3A_234, %broadcast_in_dim3A_98 : vector<16xf32>
        %parallel_loop3A_236 = arith.index_cast %parallel_loop3A_226 : i32 to index
        %parallel_loop3A_237 = tpu.vector_load %arg7[%parallel_loop3A_236] {strides = array<i32>} : memref<2048xf32, #tpu.memory_space<vmem>>, vector<16xf32>,
        %parallel_loop3A_238 = arith.subf %parallel_loop3A_237, %broadcast_in_dim3A_99 : vector<16xf32>
        %parallel_loop3A_239 = arith.index_cast %parallel_loop3A_226 : i32 to index
        %parallel_loop3A_240 = tpu.vector_load %arg8[%parallel_loop3A_239] {strides = array<i32>} : memref<2048xf32, #tpu.memory_space<vmem>>, vector<16xf32>,
        %parallel_loop3A_241 = arith.subf %parallel_loop3A_240, %broadcast_in_dim3A_100 : vector<16xf32>
        %parallel_loop3A_242 = arith.index_cast %parallel_loop3A_232 : i32 to index
        %parallel_loop3A_243 = tpu.vector_load %arg6[%parallel_loop3A_242] {strides = array<i32>} : memref<2048xf32, #tpu.memory_space<vmem>>, vector<16xf32>,
        %parallel_loop3A_244 = arith.subf %parallel_loop3A_243, %broadcast_in_dim3A_98 : vector<16xf32>
        %parallel_loop3A_245 = arith.index_cast %parallel_loop3A_232 : i32 to index
        %parallel_loop3A_246 = tpu.vector_load %arg7[%parallel_loop3A_245] {strides = array<i32>} : memref<2048xf32, #tpu.memory_space<vmem>>, vector<16xf32>,
        %parallel_loop3A_247 = arith.subf %parallel_loop3A_246, %broadcast_in_dim3A_99 : vector<16xf32>
        %parallel_loop3A_248 = arith.index_cast %parallel_loop3A_232 : i32 to index
        %parallel_loop3A_249 = tpu.vector_load %arg8[%parallel_loop3A_248] {strides = array<i32>} : memref<2048xf32, #tpu.memory_space<vmem>>, vector<16xf32>,
        %parallel_loop3A_250 = arith.subf %parallel_loop3A_249, %broadcast_in_dim3A_100 : vector<16xf32>
        %parallel_loop3A_251 = arith.mulf %parallel_loop3A_235, %parallel_loop3A_235 : vector<16xf32>
        %parallel_loop3A_252 = arith.mulf %parallel_loop3A_241, %parallel_loop3A_241 : vector<16xf32>
        %parallel_loop3A_253 = arith.addf %parallel_loop3A_251, %parallel_loop3A_252 : vector<16xf32>
        %parallel_loop3A_254 = arith.mulf %parallel_loop3A_238, %parallel_loop3A_238 : vector<16xf32>
        %parallel_loop3A_255 = arith.addf %parallel_loop3A_253, %parallel_loop3A_254 : vector<16xf32>
        %parallel_loop3A_256 = arith.mulf %parallel_loop3A_244, %parallel_loop3A_244 : vector<16xf32>
        %parallel_loop3A_257 = arith.mulf %parallel_loop3A_250, %parallel_loop3A_250 : vector<16xf32>
        %parallel_loop3A_258 = arith.addf %parallel_loop3A_256, %parallel_loop3A_257 : vector<16xf32>
        %parallel_loop3A_259 = arith.mulf %parallel_loop3A_247, %parallel_loop3A_247 : vector<16xf32>
        %parallel_loop3A_260 = arith.addf %parallel_loop3A_258, %parallel_loop3A_259 : vector<16xf32>
        %parallel_loop3A_261 = arith.index_cast %parallel_loop3A_226 : i32 to index
        %parallel_loop3A_262 = tpu.vector_load %arg9[%parallel_loop3A_261] {strides = array<i32>} : memref<2048xf32, #tpu.memory_space<vmem>>, vector<16xf32>,
        %parallel_loop3A_263 = arith.minimumf %parallel_loop3A_262, %parallel_loop3A_255 : vector<16xf32>
        %parallel_loop3A_264 = arith.index_cast %parallel_loop3A_232 : i32 to index
        %parallel_loop3A_265 = tpu.vector_load %arg9[%parallel_loop3A_264] {strides = array<i32>} : memref<2048xf32, #tpu.memory_space<vmem>>, vector<16xf32>,
        %parallel_loop3A_266 = arith.minimumf %parallel_loop3A_265, %parallel_loop3A_260 : vector<16xf32>
        %parallel_loop3A_267 = arith.index_cast %parallel_loop3A_226 : i32 to index
        %parallel_loop3A_268 = tpu.vector_load %arg9[%parallel_loop3A_267] {strides = array<i32>} : memref<2048xf32, #tpu.memory_space<vmem>>, vector<16xf32>,
        tpu.vector_store %arg9[%parallel_loop3A_267], %parallel_loop3A_263 {strides = array<i32>} : memref<2048xf32, #tpu.memory_space<vmem>>, vector<16xf32>,
        %parallel_loop3A_269 = arith.index_cast %parallel_loop3A_232 : i32 to index
        %parallel_loop3A_270 = tpu.vector_load %arg9[%parallel_loop3A_269] {strides = array<i32>} : memref<2048xf32, #tpu.memory_space<vmem>>, vector<16xf32>,
        tpu.vector_store %arg9[%parallel_loop3A_269], %parallel_loop3A_266 {strides = array<i32>} : memref<2048xf32, #tpu.memory_space<vmem>>, vector<16xf32>,
        %parallel_loop3A_271 = arith.cmpf ogt, %parallel_loop3A_263, %parallel_loop3A_227 : vector<16xf32>
        %parallel_loop3A_272 = arith.cmpf ogt, %parallel_loop3A_266, %parallel_loop3A_229 : vector<16xf32>
        %parallel_loop3A_273 = arith.select %parallel_loop3A_271, %parallel_loop3A_263, %parallel_loop3A_227 : vector<16xi1>, vector<16xf32>
        %parallel_loop3A_274 = vector.broadcast %parallel_loop3A_226 : i32 to vector<16xi32>
        %parallel_loop3A_275 = arith.addi %add3A_78, %parallel_loop3A_274 : vector<16xi32>
        %parallel_loop3A_276 = arith.select %parallel_loop3A_271, %parallel_loop3A_275, %parallel_loop3A_228 : vector<16xi1>, vector<16xi32>
        %parallel_loop3A_277 = arith.select %parallel_loop3A_272, %parallel_loop3A_266, %parallel_loop3A_229 : vector<16xi1>, vector<16xf32>
        %parallel_loop3A_278 = vector.broadcast %parallel_loop3A_232 : i32 to vector<16xi32>
        %parallel_loop3A_279 = arith.addi %add3A_78, %parallel_loop3A_278 : vector<16xi32>
        %parallel_loop3A_280 = arith.select %parallel_loop3A_272, %parallel_loop3A_279, %parallel_loop3A_230 : vector<16xi1>, vector<16xi32>
        scf.yield %parallel_loop3A_273, %parallel_loop3A_276, %parallel_loop3A_277, %parallel_loop3A_280 : vector<16xf32>, vector<16xi32>, vector<16xf32>, vector<16xi32>
      } {sc.loop_unroll_factor = 4 : i64, sc.parallel_access}
      %broadcast_in_dim3A_104 = arith.constant 1073741824 : i32
      %broadcast_in_dim3A_105 = vector.broadcast %broadcast_in_dim3A_104 : i32 to vector<16xi32>
      %max3A = arith.maximumf %parallel_loop3A_103#0, %parallel_loop3A_103#2 : vector<16xf32>
      %eq3A_106 = arith.cmpf oeq, %parallel_loop3A_103#0, %max3A : vector<16xf32>
      %select_n3A_107 = arith.select %eq3A_106, %parallel_loop3A_103#1, %broadcast_in_dim3A_105 : vector<16xi1>, vector<16xi32>
      %eq3A_108 = arith.cmpf oeq, %parallel_loop3A_103#2, %max3A : vector<16xf32>
      %select_n3A_109 = arith.select %eq3A_108, %parallel_loop3A_103#3, %broadcast_in_dim3A_105 : vector<16xi1>, vector<16xi32>
      %min3A = arith.minsi %select_n3A_107, %select_n3A_109 : vector<16xi32>
      %reduce_max3A = arith.constant true
      %reduce_max3A_110 = vector.broadcast %reduce_max3A : i1 to vector<16xi1>
      %reduce_max3A_111 = tpu.scan <max>, %max3A masked %reduce_max3A_110 : vector<16xf32>, vector<16xi1> -> vector<16xf32>
      %reduce_max3A_112 = vector.extract %reduce_max3A_111[15] : f32 from vector<16xf32>
      %broadcast_in_dim3A_113 = vector.broadcast %reduce_max3A_112 : f32 to vector<16xf32>
      %eq3A_114 = arith.cmpf oeq, %max3A, %broadcast_in_dim3A_113 : vector<16xf32>
      %select_n3A_115 = arith.select %eq3A_114, %min3A, %broadcast_in_dim3A_105 : vector<16xi1>, vector<16xi32>
      %reduce_min3A = arith.constant true
      %reduce_min3A_116 = vector.broadcast %reduce_min3A : i1 to vector<16xi1>
      %reduce_min3A_117 = arith.constant -2147483648 : i32
      %reduce_min3A_118 = vector.broadcast %reduce_min3A_117 : i32 to vector<16xi32>
      %reduce_min3A_119 = arith.xori %select_n3A_115, %reduce_min3A_118 : vector<16xi32>
      %reduce_min3A_120 = tpu.scan <min>, %reduce_min3A_119 masked %reduce_min3A_116 : vector<16xi32>, vector<16xi1> -> vector<16xi32>
      %reduce_min3A_121 = arith.xori %reduce_min3A_120, %reduce_min3A_118 : vector<16xi32>
      %reduce_min3A_122 = vector.extract %reduce_min3A_121[15] : i32 from vector<16xi32>
      %sub3A_123 = arith.subi %reduce_min3A_122, %mul3A_32 : i32
      %broadcast_in_dim3A_124 = vector.broadcast %sub3A_123 : i32 to vector<16xi32>
      %gather3A = tpu.vector_load_idx %arg6[%broadcast_in_dim3A_124] : memref<2048xf32, #tpu.memory_space<vmem>>[vector<16xi32>], vector<16xf32>,
      %gather3A_125 = tpu.vector_load_idx %arg7[%broadcast_in_dim3A_124] : memref<2048xf32, #tpu.memory_space<vmem>>[vector<16xi32>], vector<16xf32>,
      %gather3A_126 = tpu.vector_load_idx %arg8[%broadcast_in_dim3A_124] : memref<2048xf32, #tpu.memory_space<vmem>>[vector<16xi32>], vector<16xf32>,
      %convert_element_type3A_127 = arith.sitofp %reduce_min3A_122 : i32 to f32
      %broadcast_in_dim3A_128 = vector.broadcast %convert_element_type3A_127 : f32 to vector<16xf32>
      %broadcast_in_dim3A_129 = vector.broadcast %reduce_max3A_112 : f32 to vector<16xf32>
      %eq3A_130 = arith.constant 0 : i32
      %eq3A_131 = vector.broadcast %eq3A_130 : i32 to vector<16xi32>
      %eq3A_132 = arith.cmpi eq, %iota3A, %eq3A_131 : vector<16xi32>
      %eq3A_133 = arith.constant 1 : i32
      %eq3A_134 = vector.broadcast %eq3A_133 : i32 to vector<16xi32>
      %eq3A_135 = arith.cmpi eq, %iota3A, %eq3A_134 : vector<16xi32>
      %eq3A_136 = arith.constant 2 : i32
      %eq3A_137 = vector.broadcast %eq3A_136 : i32 to vector<16xi32>
      %eq3A_138 = arith.cmpi eq, %iota3A, %eq3A_137 : vector<16xi32>
      %eq3A_139 = arith.constant 3 : i32
      %eq3A_140 = vector.broadcast %eq3A_139 : i32 to vector<16xi32>
      %eq3A_141 = arith.cmpi eq, %iota3A, %eq3A_140 : vector<16xi32>
      %select_n3A_142 = arith.select %eq3A_141, %gather3A_125, %gather3A_126 : vector<16xi1>, vector<16xf32>
      %select_n3A_143 = arith.select %eq3A_138, %gather3A, %select_n3A_142 : vector<16xi1>, vector<16xf32>
      %select_n3A_144 = arith.select %eq3A_135, %broadcast_in_dim3A_128, %select_n3A_143 : vector<16xi1>, vector<16xf32>
      %select_n3A_145 = arith.select %eq3A_132, %broadcast_in_dim3A_129, %select_n3A_144 : vector<16xi1>, vector<16xf32>
      %swap3A = arith.constant 0 : index
      %swap3A_146 = tpu.vector_load %arg10[%swap3A] {strides = array<i32>} : memref<16xf32, #tpu.memory_space<vmem>>, vector<16xf32>,
      tpu.vector_store %arg10[%swap3A], %select_n3A_145 {strides = array<i32>} : memref<16xf32, #tpu.memory_space<vmem>>, vector<16xf32>,
      "tpu.region"() ({
        %run_scoped3A = tpu.sem_alloc : memref<!tpu.dma_semaphore, #tpu.memory_space<semaphore_mem>>
        %dma_start3A = arith.constant 0 : i32
        %dma_start3A_226 = tpu.memref_slice %arg13[%arg1, %dma_start3A] : memref<16x16xf32, #tpu.memory_space<vmem_shared>> -> memref<1x16xf32, #tpu.memory_space<vmem_shared>>
        %dma_start3A_227 = tpu.memref_squeeze %dma_start3A_226 : memref<1x16xf32, #tpu.memory_space<vmem_shared>> -> memref<16xf32, #tpu.memory_space<vmem_shared>>
        %dma_start3A_228 = arith.constant 0 : i32
        %dma_start3A_229 = tpu.memref_slice %arg13[%arg1, %dma_start3A_228] : memref<16x16xf32, #tpu.memory_space<vmem_shared>> -> memref<1x16xf32, #tpu.memory_space<vmem_shared>>
        %dma_start3A_230 = tpu.memref_squeeze %dma_start3A_229 : memref<1x16xf32, #tpu.memory_space<vmem_shared>> -> memref<16xf32, #tpu.memory_space<vmem_shared>>
        tpu.enqueue_dma source(%arg10 : memref<16xf32, #tpu.memory_space<vmem>>) target(%dma_start3A_230 : memref<16xf32, #tpu.memory_space<vmem_shared>>) target_semaphore(%run_scoped3A : memref<!tpu.dma_semaphore, #tpu.memory_space<semaphore_mem>>)
        %dma_wait3A = arith.constant 0 : i32
        %dma_wait3A_231 = tpu.memref_slice %arg13[%arg1, %dma_wait3A] : memref<16x16xf32, #tpu.memory_space<vmem_shared>> -> memref<1x16xf32, #tpu.memory_space<vmem_shared>>
        %dma_wait3A_232 = tpu.memref_squeeze %dma_wait3A_231 : memref<1x16xf32, #tpu.memory_space<vmem_shared>> -> memref<16xf32, #tpu.memory_space<vmem_shared>>
        %dma_wait3A_233 = arith.constant 0 : i32
        %dma_wait3A_234 = tpu.memref_slice %arg13[%arg1, %dma_wait3A_233] : memref<16x16xf32, #tpu.memory_space<vmem_shared>> -> memref<1x16xf32, #tpu.memory_space<vmem_shared>>
        %dma_wait3A_235 = tpu.memref_squeeze %dma_wait3A_234 : memref<1x16xf32, #tpu.memory_space<vmem_shared>> -> memref<16xf32, #tpu.memory_space<vmem_shared>>
        tpu.wait_dma2 semaphore(%run_scoped3A : memref<!tpu.dma_semaphore, #tpu.memory_space<semaphore_mem>>) src(%arg10 : memref<16xf32, #tpu.memory_space<vmem>>) dst(%dma_wait3A_235 : memref<16xf32, #tpu.memory_space<vmem_shared>>)
        tpu.yield
      }) : () -> ()
      %barrier3A = arith.constant 0 : index
      tpu.barrier barrier_id(%barrier3A)
      "tpu.region"() ({
        %run_scoped3A = tpu.sem_alloc : memref<!tpu.dma_semaphore, #tpu.memory_space<semaphore_mem>>
        %dma_start3A = arith.constant 0 : i32
        %dma_start3A_226 = tpu.memref_slice %arg13[%mul3A_58, %dma_start3A] : memref<16x16xf32, #tpu.memory_space<vmem_shared>> -> memref<8x16xf32, #tpu.memory_space<vmem_shared>>
        %dma_start3A_227 = arith.constant 0 : i32
        %dma_start3A_228 = tpu.memref_slice %arg13[%mul3A_58, %dma_start3A_227] : memref<16x16xf32, #tpu.memory_space<vmem_shared>> -> memref<8x16xf32, #tpu.memory_space<vmem_shared>>
        tpu.enqueue_dma source(%dma_start3A_228 : memref<8x16xf32, #tpu.memory_space<vmem_shared>>) target(%arg11 : memref<8x16xf32, #tpu.memory_space<vmem>>) target_semaphore(%run_scoped3A : memref<!tpu.dma_semaphore, #tpu.memory_space<semaphore_mem>>)
        %dma_wait3A = arith.constant 0 : i32
        %dma_wait3A_229 = tpu.memref_slice %arg13[%mul3A_58, %dma_wait3A] : memref<16x16xf32, #tpu.memory_space<vmem_shared>> -> memref<8x16xf32, #tpu.memory_space<vmem_shared>>
        %dma_wait3A_230 = arith.constant 0 : i32
        %dma_wait3A_231 = tpu.memref_slice %arg13[%mul3A_58, %dma_wait3A_230] : memref<16x16xf32, #tpu.memory_space<vmem_shared>> -> memref<8x16xf32, #tpu.memory_space<vmem_shared>>
        tpu.wait_dma2 semaphore(%run_scoped3A : memref<!tpu.dma_semaphore, #tpu.memory_space<semaphore_mem>>) src(%dma_wait3A_231 : memref<8x16xf32, #tpu.memory_space<vmem_shared>>) dst(%arg11 : memref<8x16xf32, #tpu.memory_space<vmem>>)
        tpu.yield
      }) : () -> ()
      %get3A_147 = arith.constant 0 : i32
      %get3A_148 = arith.index_cast %get3A_147 : i32 to index
      %get3A_149 = arith.constant 0 : index
      %get3A_150 = tpu.vector_load %arg11[%get3A_148, %get3A_149] {strides = array<i32>} : memref<8x16xf32, #tpu.memory_space<vmem>>, vector<16xf32>,
      %slice3A_151 = vector.extract_strided_slice %get3A_150 {offsets = [0], sizes = [1], strides = [1]} : vector<16xf32> to vector<1xf32>
      %squeeze3A_152 = vector.extract %slice3A_151[0] : f32 from vector<1xf32>
      %get3A_153 = arith.constant 1 : i32
      %get3A_154 = arith.index_cast %get3A_153 : i32 to index
      %get3A_155 = arith.constant 0 : index
      %get3A_156 = tpu.vector_load %arg11[%get3A_154, %get3A_155] {strides = array<i32>} : memref<8x16xf32, #tpu.memory_space<vmem>>, vector<16xf32>,
      %slice3A_157 = vector.extract_strided_slice %get3A_156 {offsets = [0], sizes = [1], strides = [1]} : vector<16xf32> to vector<1xf32>
      %squeeze3A_158 = vector.extract %slice3A_157[0] : f32 from vector<1xf32>
      %gt3A = arith.cmpf ogt, %squeeze3A_158, %squeeze3A_152 : f32
      %select_n3A_159 = arith.select %gt3A, %squeeze3A_158, %squeeze3A_152 : f32
      %select_n3A_160 = arith.select %gt3A, %get3A_156, %get3A_150 : vector<16xf32>
      %get3A_161 = arith.constant 2 : i32
      %get3A_162 = arith.index_cast %get3A_161 : i32 to index
      %get3A_163 = arith.constant 0 : index
      %get3A_164 = tpu.vector_load %arg11[%get3A_162, %get3A_163] {strides = array<i32>} : memref<8x16xf32, #tpu.memory_space<vmem>>, vector<16xf32>,
      %slice3A_165 = vector.extract_strided_slice %get3A_164 {offsets = [0], sizes = [1], strides = [1]} : vector<16xf32> to vector<1xf32>
      %squeeze3A_166 = vector.extract %slice3A_165[0] : f32 from vector<1xf32>
      %gt3A_167 = arith.cmpf ogt, %squeeze3A_166, %select_n3A_159 : f32
      %select_n3A_168 = arith.select %gt3A_167, %squeeze3A_166, %select_n3A_159 : f32
      %select_n3A_169 = arith.select %gt3A_167, %get3A_164, %select_n3A_160 : vector<16xf32>
      %get3A_170 = arith.constant 3 : i32
      %get3A_171 = arith.index_cast %get3A_170 : i32 to index
      %get3A_172 = arith.constant 0 : index
      %get3A_173 = tpu.vector_load %arg11[%get3A_171, %get3A_172] {strides = array<i32>} : memref<8x16xf32, #tpu.memory_space<vmem>>, vector<16xf32>,
      %slice3A_174 = vector.extract_strided_slice %get3A_173 {offsets = [0], sizes = [1], strides = [1]} : vector<16xf32> to vector<1xf32>
      %squeeze3A_175 = vector.extract %slice3A_174[0] : f32 from vector<1xf32>
      %gt3A_176 = arith.cmpf ogt, %squeeze3A_175, %select_n3A_168 : f32
      %select_n3A_177 = arith.select %gt3A_176, %squeeze3A_175, %select_n3A_168 : f32
      %select_n3A_178 = arith.select %gt3A_176, %get3A_173, %select_n3A_169 : vector<16xf32>
      %get3A_179 = arith.constant 4 : i32
      %get3A_180 = arith.index_cast %get3A_179 : i32 to index
      %get3A_181 = arith.constant 0 : index
      %get3A_182 = tpu.vector_load %arg11[%get3A_180, %get3A_181] {strides = array<i32>} : memref<8x16xf32, #tpu.memory_space<vmem>>, vector<16xf32>,
      %slice3A_183 = vector.extract_strided_slice %get3A_182 {offsets = [0], sizes = [1], strides = [1]} : vector<16xf32> to vector<1xf32>
      %squeeze3A_184 = vector.extract %slice3A_183[0] : f32 from vector<1xf32>
      %gt3A_185 = arith.cmpf ogt, %squeeze3A_184, %select_n3A_177 : f32
      %select_n3A_186 = arith.select %gt3A_185, %squeeze3A_184, %select_n3A_177 : f32
      %select_n3A_187 = arith.select %gt3A_185, %get3A_182, %select_n3A_178 : vector<16xf32>
      %get3A_188 = arith.constant 5 : i32
      %get3A_189 = arith.index_cast %get3A_188 : i32 to index
      %get3A_190 = arith.constant 0 : index
      %get3A_191 = tpu.vector_load %arg11[%get3A_189, %get3A_190] {strides = array<i32>} : memref<8x16xf32, #tpu.memory_space<vmem>>, vector<16xf32>,
      %slice3A_192 = vector.extract_strided_slice %get3A_191 {offsets = [0], sizes = [1], strides = [1]} : vector<16xf32> to vector<1xf32>
      %squeeze3A_193 = vector.extract %slice3A_192[0] : f32 from vector<1xf32>
      %gt3A_194 = arith.cmpf ogt, %squeeze3A_193, %select_n3A_186 : f32
      %select_n3A_195 = arith.select %gt3A_194, %squeeze3A_193, %select_n3A_186 : f32
      %select_n3A_196 = arith.select %gt3A_194, %get3A_191, %select_n3A_187 : vector<16xf32>
      %get3A_197 = arith.constant 6 : i32
      %get3A_198 = arith.index_cast %get3A_197 : i32 to index
      %get3A_199 = arith.constant 0 : index
      %get3A_200 = tpu.vector_load %arg11[%get3A_198, %get3A_199] {strides = array<i32>} : memref<8x16xf32, #tpu.memory_space<vmem>>, vector<16xf32>,
      %slice3A_201 = vector.extract_strided_slice %get3A_200 {offsets = [0], sizes = [1], strides = [1]} : vector<16xf32> to vector<1xf32>
      %squeeze3A_202 = vector.extract %slice3A_201[0] : f32 from vector<1xf32>
      %gt3A_203 = arith.cmpf ogt, %squeeze3A_202, %select_n3A_195 : f32
      %select_n3A_204 = arith.select %gt3A_203, %squeeze3A_202, %select_n3A_195 : f32
      %select_n3A_205 = arith.select %gt3A_203, %get3A_200, %select_n3A_196 : vector<16xf32>
      %get3A_206 = arith.constant 7 : i32
      %get3A_207 = arith.index_cast %get3A_206 : i32 to index
      %get3A_208 = arith.constant 0 : index
      %get3A_209 = tpu.vector_load %arg11[%get3A_207, %get3A_208] {strides = array<i32>} : memref<8x16xf32, #tpu.memory_space<vmem>>, vector<16xf32>,
      %slice3A_210 = vector.extract_strided_slice %get3A_209 {offsets = [0], sizes = [1], strides = [1]} : vector<16xf32> to vector<1xf32>
      %squeeze3A_211 = vector.extract %slice3A_210[0] : f32 from vector<1xf32>
      %gt3A_212 = arith.cmpf ogt, %squeeze3A_211, %select_n3A_204 : f32
      %select_n3A_213 = arith.select %gt3A_212, %squeeze3A_211, %select_n3A_204 : f32
      %select_n3A_214 = arith.select %gt3A_212, %get3A_209, %select_n3A_205 : vector<16xf32>
      %eq3A_215 = arith.constant 0 : i32
      %eq3A_216 = arith.cmpi eq, %select_n3A_30, %eq3A_215 : i32
      %convert_element_type3A_217 = arith.extui %eq3A_216 : i1 to i32
      %cond3A_218 = arith.constant 0 : i32
      %cond3A_219 = arith.cmpi ne, %convert_element_type3A_217, %cond3A_218 : i32
      scf.if %cond3A_219 {
        %swap3A_226 = arith.index_cast %scan3A_94 : i32 to index
        %swap3A_227 = arith.constant 0 : index
        %swap3A_228 = tpu.vector_load %arg12[%swap3A_226, %swap3A_227] {strides = array<i32>} : memref<2048x16xf32, #tpu.memory_space<vmem>>, vector<16xf32>,
        tpu.vector_store %arg12[%swap3A_226, %swap3A_227], %select_n3A_214 {strides = array<i32>} : memref<2048x16xf32, #tpu.memory_space<vmem>>, vector<16xf32>,
      } else {
      }
      %slice3A_220 = vector.extract_strided_slice %select_n3A_214 {offsets = [2], sizes = [1], strides = [1]} : vector<16xf32> to vector<1xf32>
      %squeeze3A_221 = vector.extract %slice3A_220[0] : f32 from vector<1xf32>
      %slice3A_222 = vector.extract_strided_slice %select_n3A_214 {offsets = [3], sizes = [1], strides = [1]} : vector<16xf32> to vector<1xf32>
      %squeeze3A_223 = vector.extract %slice3A_222[0] : f32 from vector<1xf32>
      %slice3A_224 = vector.extract_strided_slice %select_n3A_214 {offsets = [4], sizes = [1], strides = [1]} : vector<16xf32> to vector<1xf32>
      %squeeze3A_225 = vector.extract %slice3A_224[0] : f32 from vector<1xf32>
      scf.yield %squeeze3A_221, %squeeze3A_223, %squeeze3A_225 : f32, f32, f32
    }
    %scan3A_88 = arith.constant 2047 : i32
    %eq3A_89 = arith.constant 0 : i32
    %eq3A_90 = arith.cmpi eq, %select_n3A_30, %eq3A_89 : i32
    %convert_element_type3A_91 = arith.extui %eq3A_90 : i1 to i32
    %cond3A_92 = arith.constant 0 : i32
    %cond3A_93 = arith.cmpi ne, %convert_element_type3A_91, %cond3A_92 : i32
    scf.if %cond3A_93 {
      "tpu.region"() ({
        %run_scoped3A = tpu.sem_alloc : memref<!tpu.dma_semaphore, #tpu.memory_space<semaphore_mem>>
        %dma_start3A = arith.constant 0 : i32
        %dma_start3A_94 = arith.constant 0 : i32
        %dma_start3A_95 = tpu.memref_slice %arg5[%add3A, %dma_start3A, %dma_start3A_94] : memref<4x2048x16xf32, #tpu.memory_space<hbm>> -> memref<1x2048x16xf32, #tpu.memory_space<hbm>>
        %dma_start3A_96 = tpu.memref_squeeze %dma_start3A_95 : memref<1x2048x16xf32, #tpu.memory_space<hbm>> -> memref<2048x16xf32, #tpu.memory_space<hbm>>
        %dma_start3A_97 = arith.constant 0 : i32
        %dma_start3A_98 = arith.constant 0 : i32
        %dma_start3A_99 = tpu.memref_slice %arg5[%add3A, %dma_start3A_97, %dma_start3A_98] : memref<4x2048x16xf32, #tpu.memory_space<hbm>> -> memref<1x2048x16xf32, #tpu.memory_space<hbm>>
        %dma_start3A_100 = tpu.memref_squeeze %dma_start3A_99 : memref<1x2048x16xf32, #tpu.memory_space<hbm>> -> memref<2048x16xf32, #tpu.memory_space<hbm>>
        tpu.enqueue_dma source(%arg12 : memref<2048x16xf32, #tpu.memory_space<vmem>>) target(%dma_start3A_100 : memref<2048x16xf32, #tpu.memory_space<hbm>>) target_semaphore(%run_scoped3A : memref<!tpu.dma_semaphore, #tpu.memory_space<semaphore_mem>>)
        %dma_wait3A = arith.constant 0 : i32
        %dma_wait3A_101 = arith.constant 0 : i32
        %dma_wait3A_102 = tpu.memref_slice %arg5[%add3A, %dma_wait3A, %dma_wait3A_101] : memref<4x2048x16xf32, #tpu.memory_space<hbm>> -> memref<1x2048x16xf32, #tpu.memory_space<hbm>>
        %dma_wait3A_103 = tpu.memref_squeeze %dma_wait3A_102 : memref<1x2048x16xf32, #tpu.memory_space<hbm>> -> memref<2048x16xf32, #tpu.memory_space<hbm>>
        %dma_wait3A_104 = arith.constant 0 : i32
        %dma_wait3A_105 = arith.constant 0 : i32
        %dma_wait3A_106 = tpu.memref_slice %arg5[%add3A, %dma_wait3A_104, %dma_wait3A_105] : memref<4x2048x16xf32, #tpu.memory_space<hbm>> -> memref<1x2048x16xf32, #tpu.memory_space<hbm>>
        %dma_wait3A_107 = tpu.memref_squeeze %dma_wait3A_106 : memref<1x2048x16xf32, #tpu.memory_space<hbm>> -> memref<2048x16xf32, #tpu.memory_space<hbm>>
        tpu.wait_dma2 semaphore(%run_scoped3A : memref<!tpu.dma_semaphore, #tpu.memory_space<semaphore_mem>>) src(%arg12 : memref<2048x16xf32, #tpu.memory_space<vmem>>) dst(%dma_wait3A_107 : memref<2048x16xf32, #tpu.memory_space<hbm>>)
        tpu.yield
      }) : () -> ()
    } else {
    }
    return
  }
}

module attributes {stable_mosaic.version = 14 : i64} {
  func.func @_fps_tc_body(%arg0: memref<8x8192xf32, #tpu.memory_space<vmem>>, %arg1: memref<8x8192xf32, #tpu.memory_space<vmem>>, %arg2: memref<8x8192xf32, #tpu.memory_space<vmem>>, %arg3: memref<3x8x2048xf32, #tpu.memory_space<vmem>>, %arg4: memref<8x8192xf32, #tpu.memory_space<vmem>>, %arg5: memref<8x2048xf32, #tpu.memory_space<vmem>>, %arg6: memref<8x2048xf32, #tpu.memory_space<vmem>>, %arg7: memref<8x2048xf32, #tpu.memory_space<vmem>>) attributes {dimension_semantics = [], scalar_prefetch = 0 : i64, scratch_operands = 4 : i64, tpu.core_type = #tpu.core_type<tc>} {
    %iota3A = tpu.iota {dimensions = array<i32: 1>} : vector<8x8192xi32>
    %iota3A_0 = tpu.iota {dimensions = array<i32: 0>} : vector<8x1xi32>
    %jit3A = arith.constant 2 : i32
    %eq3A = arith.constant 0 : i32
    %eq3A_1 = arith.cmpi eq, %jit3A, %eq3A : i32
    %jit3A_2 = arith.constant 1 : i32
    %select_n3A = arith.select %eq3A_1, %jit3A_2, %jit3A : i32
    %rem3A = vector.broadcast %select_n3A : i32 to vector<8x1xi32>
    %rem3A_3 = arith.remsi %iota3A_0, %rem3A : vector<8x1xi32>
    %ne3A = arith.constant 0 : i32
    %ne3A_4 = vector.broadcast %ne3A : i32 to vector<8x1xi32>
    %ne3A_5 = arith.cmpi ne, %rem3A_3, %ne3A_4 : vector<8x1xi32>
    %lt3A = arith.constant 0 : i32
    %lt3A_6 = vector.broadcast %lt3A : i32 to vector<8x1xi32>
    %lt3A_7 = arith.cmpi slt, %rem3A_3, %lt3A_6 : vector<8x1xi32>
    %lt3A_8 = arith.constant 0 : i32
    %lt3A_9 = arith.cmpi slt, %select_n3A, %lt3A_8 : i32
    %ne3A_10 = vector.broadcast %lt3A_9 : i1 to vector<8x1xi1>
    %ne3A_11 = vector.broadcast %ne3A_10 : vector<8x1xi1> to vector<8x1xi1>
    %ne3A_12 = arith.xori %lt3A_7, %ne3A_11 : vector<8x1xi1>
    %and3A = arith.andi %ne3A_12, %ne3A_5 : vector<8x1xi1>
    %add3A = vector.broadcast %select_n3A : i32 to vector<8x1xi32>
    %add3A_13 = arith.addi %rem3A_3, %add3A : vector<8x1xi32>
    %select_n3A_14 = arith.select %and3A, %add3A_13, %rem3A_3 : vector<8x1xi1>, vector<8x1xi32>
    %eq3A_15 = arith.constant 0 : i32
    %eq3A_16 = vector.broadcast %eq3A_15 : i32 to vector<8x1xi32>
    %eq3A_17 = arith.cmpi eq, %select_n3A_14, %eq3A_16 : vector<8x1xi32>
    %mul3A = arith.constant 8192 : i32
    %mul3A_18 = vector.broadcast %mul3A : i32 to vector<8x1xi32>
    %mul3A_19 = arith.muli %select_n3A_14, %mul3A_18 : vector<8x1xi32>
    %add3A_20 = vector.broadcast %mul3A_19 : vector<8x1xi32> to vector<8x8192xi32>
    %add3A_21 = arith.addi %iota3A, %add3A_20 : vector<8x8192xi32>
    %iota3A_22 = tpu.iota {dimensions = array<i32: 1>} : vector<8x128xi32>
    %broadcast_in_dim3A = arith.constant 0x7F800000 : f32
    %broadcast_in_dim3A_23 = vector.broadcast %broadcast_in_dim3A : f32 to vector<8x8192xf32>
    %swap3A = arith.constant 0 : index
    %swap3A_24 = arith.constant 0 : index
    %swap3A_25 = vector.load %arg4[%swap3A, %swap3A_24] : memref<8x8192xf32, #tpu.memory_space<vmem>>, vector<8x8192xf32>
    tpu.vector_store %arg4[%swap3A, %swap3A_24], %broadcast_in_dim3A_23 {strides = array<i32>} : memref<8x8192xf32, #tpu.memory_space<vmem>>, vector<8x8192xf32>,
    %broadcast_in_dim3A_26 = arith.constant 0 : i32
    %broadcast_in_dim3A_27 = vector.broadcast %broadcast_in_dim3A_26 : i32 to vector<8x1xi32>
    %eq3A_28 = vector.broadcast %broadcast_in_dim3A_27 : vector<8x1xi32> to vector<8x8192xi32>
    %eq3A_29 = arith.cmpi eq, %add3A_21, %eq3A_28 : vector<8x8192xi32>
    %broadcast_in_dim3A_30 = arith.constant 0.000000e+00 : f32
    %broadcast_in_dim3A_31 = vector.broadcast %broadcast_in_dim3A_30 : f32 to vector<8x8192xf32>
    %get3A = arith.constant 0 : index
    %get3A_32 = arith.constant 0 : index
    %get3A_33 = vector.load %arg0[%get3A, %get3A_32] : memref<8x8192xf32, #tpu.memory_space<vmem>>, vector<8x8192xf32>
    %select_n3A_34 = arith.select %eq3A_29, %get3A_33, %broadcast_in_dim3A_31 : vector<8x8192xi1>, vector<8x8192xf32>
    %reduce_sum3A = arith.constant dense<0.000000e+00> : vector<8xf32>
    %reduce_sum3A_35 = vector.multi_reduction <add>, %select_n3A_34, %reduce_sum3A [1] : vector<8x8192xf32> to vector<8xf32>
    %broadcast_in_dim3A_36 = vector.shape_cast %reduce_sum3A_35 : vector<8xf32> to vector<8x1xf32>
    %roll3A = arith.constant 7 : i32
    %roll3A_37 = tpu.dynamic_rotate %broadcast_in_dim3A_36 by %roll3A dim 0 : vector<8x1xf32>, i32 -> vector<8x1xf32>
    %roll3A_38 = arith.constant 1 : i32
    %roll3A_39 = tpu.dynamic_rotate %broadcast_in_dim3A_36 by %roll3A_38 dim 0 : vector<8x1xf32>, i32 -> vector<8x1xf32>
    %select_n3A_40 = arith.select %eq3A_17, %roll3A_37, %roll3A_39 : vector<8x1xi1>, vector<8x1xf32>
    %add3A_41 = arith.addf %broadcast_in_dim3A_36, %select_n3A_40 : vector<8x1xf32>
    %get3A_42 = arith.constant 0 : index
    %get3A_43 = arith.constant 0 : index
    %get3A_44 = vector.load %arg1[%get3A_42, %get3A_43] : memref<8x8192xf32, #tpu.memory_space<vmem>>, vector<8x8192xf32>
    %select_n3A_45 = arith.select %eq3A_29, %get3A_44, %broadcast_in_dim3A_31 : vector<8x8192xi1>, vector<8x8192xf32>
    %reduce_sum3A_46 = arith.constant dense<0.000000e+00> : vector<8xf32>
    %reduce_sum3A_47 = vector.multi_reduction <add>, %select_n3A_45, %reduce_sum3A_46 [1] : vector<8x8192xf32> to vector<8xf32>
    %broadcast_in_dim3A_48 = vector.shape_cast %reduce_sum3A_47 : vector<8xf32> to vector<8x1xf32>
    %roll3A_49 = arith.constant 7 : i32
    %roll3A_50 = tpu.dynamic_rotate %broadcast_in_dim3A_48 by %roll3A_49 dim 0 : vector<8x1xf32>, i32 -> vector<8x1xf32>
    %roll3A_51 = arith.constant 1 : i32
    %roll3A_52 = tpu.dynamic_rotate %broadcast_in_dim3A_48 by %roll3A_51 dim 0 : vector<8x1xf32>, i32 -> vector<8x1xf32>
    %select_n3A_53 = arith.select %eq3A_17, %roll3A_50, %roll3A_52 : vector<8x1xi1>, vector<8x1xf32>
    %add3A_54 = arith.addf %broadcast_in_dim3A_48, %select_n3A_53 : vector<8x1xf32>
    %get3A_55 = arith.constant 0 : index
    %get3A_56 = arith.constant 0 : index
    %get3A_57 = vector.load %arg2[%get3A_55, %get3A_56] : memref<8x8192xf32, #tpu.memory_space<vmem>>, vector<8x8192xf32>
    %select_n3A_58 = arith.select %eq3A_29, %get3A_57, %broadcast_in_dim3A_31 : vector<8x8192xi1>, vector<8x8192xf32>
    %reduce_sum3A_59 = arith.constant dense<0.000000e+00> : vector<8xf32>
    %reduce_sum3A_60 = vector.multi_reduction <add>, %select_n3A_58, %reduce_sum3A_59 [1] : vector<8x8192xf32> to vector<8xf32>
    %broadcast_in_dim3A_61 = vector.shape_cast %reduce_sum3A_60 : vector<8xf32> to vector<8x1xf32>
    %roll3A_62 = arith.constant 7 : i32
    %roll3A_63 = tpu.dynamic_rotate %broadcast_in_dim3A_61 by %roll3A_62 dim 0 : vector<8x1xf32>, i32 -> vector<8x1xf32>
    %roll3A_64 = arith.constant 1 : i32
    %roll3A_65 = tpu.dynamic_rotate %broadcast_in_dim3A_61 by %roll3A_64 dim 0 : vector<8x1xf32>, i32 -> vector<8x1xf32>
    %select_n3A_66 = arith.select %eq3A_17, %roll3A_63, %roll3A_65 : vector<8x1xi1>, vector<8x1xf32>
    %add3A_67 = arith.addf %broadcast_in_dim3A_61, %select_n3A_66 : vector<8x1xf32>
    %multiple_of3A = arith.constant 0 : i32
    %multiple_of3A_68 = tpu.assume_multiple %multiple_of3A, 128 : i32
    %sub3A = arith.constant 0 : i32
    %sub3A_69 = arith.subi %sub3A, %multiple_of3A_68 : i32
    %eq3A_70 = vector.broadcast %sub3A_69 : i32 to vector<8x128xi32>
    %eq3A_71 = arith.cmpi eq, %iota3A_22, %eq3A_70 : vector<8x128xi32>
    %get3A_72 = arith.constant 0 : index
    %get3A_73 = arith.index_cast %multiple_of3A_68 : i32 to index
    %get3A_74 = vector.load %arg5[%get3A_72, %get3A_73] : memref<8x2048xf32, #tpu.memory_space<vmem>>, vector<8x128xf32>
    %broadcast_in_dim3A_75 = vector.shape_cast %add3A_41 : vector<8x1xf32> to vector<8x1xf32>
    %broadcast_in_dim3A_76 = vector.broadcast %broadcast_in_dim3A_75 : vector<8x1xf32> to vector<8x128xf32>
    %select_n3A_77 = arith.select %eq3A_71, %broadcast_in_dim3A_76, %get3A_74 : vector<8x128xi1>, vector<8x128xf32>
    %swap3A_78 = arith.constant 0 : index
    %swap3A_79 = arith.index_cast %multiple_of3A_68 : i32 to index
    %swap3A_80 = vector.load %arg5[%swap3A_78, %swap3A_79] : memref<8x2048xf32, #tpu.memory_space<vmem>>, vector<8x128xf32>
    tpu.vector_store %arg5[%swap3A_78, %swap3A_79], %select_n3A_77 {strides = array<i32>} : memref<8x2048xf32, #tpu.memory_space<vmem>>, vector<8x128xf32>,
    %get3A_81 = arith.constant 0 : index
    %get3A_82 = arith.index_cast %multiple_of3A_68 : i32 to index
    %get3A_83 = vector.load %arg6[%get3A_81, %get3A_82] : memref<8x2048xf32, #tpu.memory_space<vmem>>, vector<8x128xf32>
    %broadcast_in_dim3A_84 = vector.shape_cast %add3A_54 : vector<8x1xf32> to vector<8x1xf32>
    %broadcast_in_dim3A_85 = vector.broadcast %broadcast_in_dim3A_84 : vector<8x1xf32> to vector<8x128xf32>
    %select_n3A_86 = arith.select %eq3A_71, %broadcast_in_dim3A_85, %get3A_83 : vector<8x128xi1>, vector<8x128xf32>
    %swap3A_87 = arith.constant 0 : index
    %swap3A_88 = arith.index_cast %multiple_of3A_68 : i32 to index
    %swap3A_89 = vector.load %arg6[%swap3A_87, %swap3A_88] : memref<8x2048xf32, #tpu.memory_space<vmem>>, vector<8x128xf32>
    tpu.vector_store %arg6[%swap3A_87, %swap3A_88], %select_n3A_86 {strides = array<i32>} : memref<8x2048xf32, #tpu.memory_space<vmem>>, vector<8x128xf32>,
    %get3A_90 = arith.constant 0 : index
    %get3A_91 = arith.index_cast %multiple_of3A_68 : i32 to index
    %get3A_92 = vector.load %arg7[%get3A_90, %get3A_91] : memref<8x2048xf32, #tpu.memory_space<vmem>>, vector<8x128xf32>
    %broadcast_in_dim3A_93 = vector.shape_cast %add3A_67 : vector<8x1xf32> to vector<8x1xf32>
    %broadcast_in_dim3A_94 = vector.broadcast %broadcast_in_dim3A_93 : vector<8x1xf32> to vector<8x128xf32>
    %select_n3A_95 = arith.select %eq3A_71, %broadcast_in_dim3A_94, %get3A_92 : vector<8x128xi1>, vector<8x128xf32>
    %swap3A_96 = arith.constant 0 : index
    %swap3A_97 = arith.index_cast %multiple_of3A_68 : i32 to index
    %swap3A_98 = vector.load %arg7[%swap3A_96, %swap3A_97] : memref<8x2048xf32, #tpu.memory_space<vmem>>, vector<8x128xf32>
    tpu.vector_store %arg7[%swap3A_96, %swap3A_97], %select_n3A_95 {strides = array<i32>} : memref<8x2048xf32, #tpu.memory_space<vmem>>, vector<8x128xf32>,
    %scan3A = arith.constant 1 : i32
    %scan3A_99 = arith.constant 2047 : i32
    %scan3A_100 = arith.addi %scan3A, %scan3A_99 : i32
    %scan3A_101 = arith.constant 1 : i32
    %scan3A_102:3 = scf.for %scan3A_131 = %scan3A to %scan3A_100 step %scan3A_101 iter_args(%scan3A_132 = %add3A_41, %scan3A_133 = %add3A_54, %scan3A_134 = %add3A_67) -> (vector<8x1xf32>, vector<8x1xf32>, vector<8x1xf32>)  : i32 {
      %get3A_135 = arith.constant 0 : index
      %get3A_136 = arith.constant 0 : index
      %get3A_137 = vector.load %arg0[%get3A_135, %get3A_136] : memref<8x8192xf32, #tpu.memory_space<vmem>>, vector<8x8192xf32>
      %sub3A_138 = vector.broadcast %scan3A_132 : vector<8x1xf32> to vector<8x8192xf32>
      %sub3A_139 = arith.subf %get3A_137, %sub3A_138 : vector<8x8192xf32>
      %get3A_140 = arith.constant 0 : index
      %get3A_141 = arith.constant 0 : index
      %get3A_142 = vector.load %arg1[%get3A_140, %get3A_141] : memref<8x8192xf32, #tpu.memory_space<vmem>>, vector<8x8192xf32>
      %sub3A_143 = vector.broadcast %scan3A_133 : vector<8x1xf32> to vector<8x8192xf32>
      %sub3A_144 = arith.subf %get3A_142, %sub3A_143 : vector<8x8192xf32>
      %get3A_145 = arith.constant 0 : index
      %get3A_146 = arith.constant 0 : index
      %get3A_147 = vector.load %arg2[%get3A_145, %get3A_146] : memref<8x8192xf32, #tpu.memory_space<vmem>>, vector<8x8192xf32>
      %sub3A_148 = vector.broadcast %scan3A_134 : vector<8x1xf32> to vector<8x8192xf32>
      %sub3A_149 = arith.subf %get3A_147, %sub3A_148 : vector<8x8192xf32>
      %mul3A_150 = arith.mulf %sub3A_139, %sub3A_139 : vector<8x8192xf32>
      %mul3A_151 = arith.mulf %sub3A_149, %sub3A_149 : vector<8x8192xf32>
      %add3A_152 = arith.addf %mul3A_150, %mul3A_151 : vector<8x8192xf32>
      %mul3A_153 = arith.mulf %sub3A_144, %sub3A_144 : vector<8x8192xf32>
      %add3A_154 = arith.addf %add3A_152, %mul3A_153 : vector<8x8192xf32>
      %get3A_155 = arith.constant 0 : index
      %get3A_156 = arith.constant 0 : index
      %get3A_157 = vector.load %arg4[%get3A_155, %get3A_156] : memref<8x8192xf32, #tpu.memory_space<vmem>>, vector<8x8192xf32>
      %min3A = arith.minimumf %get3A_157, %add3A_154 : vector<8x8192xf32>
      %swap3A_158 = arith.constant 0 : index
      %swap3A_159 = arith.constant 0 : index
      %swap3A_160 = vector.load %arg4[%swap3A_158, %swap3A_159] : memref<8x8192xf32, #tpu.memory_space<vmem>>, vector<8x8192xf32>
      tpu.vector_store %arg4[%swap3A_158, %swap3A_159], %min3A {strides = array<i32>} : memref<8x8192xf32, #tpu.memory_space<vmem>>, vector<8x8192xf32>,
      %reduce_max3A = arith.constant dense<0xFF800000> : vector<8xf32>
      %reduce_max3A_161 = vector.multi_reduction <maximumf>, %min3A, %reduce_max3A [1] : vector<8x8192xf32> to vector<8xf32>
      %broadcast_in_dim3A_162 = vector.shape_cast %reduce_max3A_161 : vector<8xf32> to vector<8x1xf32>
      %roll3A_163 = arith.constant 7 : i32
      %roll3A_164 = tpu.dynamic_rotate %broadcast_in_dim3A_162 by %roll3A_163 dim 0 : vector<8x1xf32>, i32 -> vector<8x1xf32>
      %roll3A_165 = arith.constant 1 : i32
      %roll3A_166 = tpu.dynamic_rotate %broadcast_in_dim3A_162 by %roll3A_165 dim 0 : vector<8x1xf32>, i32 -> vector<8x1xf32>
      %select_n3A_167 = arith.select %eq3A_17, %roll3A_164, %roll3A_166 : vector<8x1xi1>, vector<8x1xf32>
      %max3A = arith.maximumf %broadcast_in_dim3A_162, %select_n3A_167 : vector<8x1xf32>
      %eq3A_168 = vector.broadcast %max3A : vector<8x1xf32> to vector<8x8192xf32>
      %eq3A_169 = arith.cmpf oeq, %min3A, %eq3A_168 : vector<8x8192xf32>
      %broadcast_in_dim3A_170 = arith.constant 1073741824 : i32
      %broadcast_in_dim3A_171 = vector.broadcast %broadcast_in_dim3A_170 : i32 to vector<8x8192xi32>
      %select_n3A_172 = arith.select %eq3A_169, %add3A_21, %broadcast_in_dim3A_171 : vector<8x8192xi1>, vector<8x8192xi32>
      %reduce_min3A = arith.constant dense<2147483647> : vector<8xi32>
      %reduce_min3A_173 = vector.multi_reduction <minsi>, %select_n3A_172, %reduce_min3A [1] : vector<8x8192xi32> to vector<8xi32>
      %broadcast_in_dim3A_174 = vector.shape_cast %reduce_min3A_173 : vector<8xi32> to vector<8x1xi32>
      %roll3A_175 = arith.constant 7 : i32
      %roll3A_176 = tpu.dynamic_rotate %broadcast_in_dim3A_174 by %roll3A_175 dim 0 : vector<8x1xi32>, i32 -> vector<8x1xi32>
      %roll3A_177 = arith.constant 1 : i32
      %roll3A_178 = tpu.dynamic_rotate %broadcast_in_dim3A_174 by %roll3A_177 dim 0 : vector<8x1xi32>, i32 -> vector<8x1xi32>
      %select_n3A_179 = arith.select %eq3A_17, %roll3A_176, %roll3A_178 : vector<8x1xi1>, vector<8x1xi32>
      %min3A_180 = arith.minsi %broadcast_in_dim3A_174, %select_n3A_179 : vector<8x1xi32>
      %eq3A_181 = vector.broadcast %min3A_180 : vector<8x1xi32> to vector<8x8192xi32>
      %eq3A_182 = arith.cmpi eq, %add3A_21, %eq3A_181 : vector<8x8192xi32>
      %broadcast_in_dim3A_183 = arith.constant 0.000000e+00 : f32
      %broadcast_in_dim3A_184 = vector.broadcast %broadcast_in_dim3A_183 : f32 to vector<8x8192xf32>
      %get3A_185 = arith.constant 0 : index
      %get3A_186 = arith.constant 0 : index
      %get3A_187 = vector.load %arg0[%get3A_185, %get3A_186] : memref<8x8192xf32, #tpu.memory_space<vmem>>, vector<8x8192xf32>
      %select_n3A_188 = arith.select %eq3A_182, %get3A_187, %broadcast_in_dim3A_184 : vector<8x8192xi1>, vector<8x8192xf32>
      %reduce_sum3A_189 = arith.constant dense<0.000000e+00> : vector<8xf32>
      %reduce_sum3A_190 = vector.multi_reduction <add>, %select_n3A_188, %reduce_sum3A_189 [1] : vector<8x8192xf32> to vector<8xf32>
      %broadcast_in_dim3A_191 = vector.shape_cast %reduce_sum3A_190 : vector<8xf32> to vector<8x1xf32>
      %roll3A_192 = arith.constant 7 : i32
      %roll3A_193 = tpu.dynamic_rotate %broadcast_in_dim3A_191 by %roll3A_192 dim 0 : vector<8x1xf32>, i32 -> vector<8x1xf32>
      %roll3A_194 = arith.constant 1 : i32
      %roll3A_195 = tpu.dynamic_rotate %broadcast_in_dim3A_191 by %roll3A_194 dim 0 : vector<8x1xf32>, i32 -> vector<8x1xf32>
      %select_n3A_196 = arith.select %eq3A_17, %roll3A_193, %roll3A_195 : vector<8x1xi1>, vector<8x1xf32>
      %add3A_197 = arith.addf %broadcast_in_dim3A_191, %select_n3A_196 : vector<8x1xf32>
      %get3A_198 = arith.constant 0 : index
      %get3A_199 = arith.constant 0 : index
      %get3A_200 = vector.load %arg1[%get3A_198, %get3A_199] : memref<8x8192xf32, #tpu.memory_space<vmem>>, vector<8x8192xf32>
      %select_n3A_201 = arith.select %eq3A_182, %get3A_200, %broadcast_in_dim3A_184 : vector<8x8192xi1>, vector<8x8192xf32>
      %reduce_sum3A_202 = arith.constant dense<0.000000e+00> : vector<8xf32>
      %reduce_sum3A_203 = vector.multi_reduction <add>, %select_n3A_201, %reduce_sum3A_202 [1] : vector<8x8192xf32> to vector<8xf32>
      %broadcast_in_dim3A_204 = vector.shape_cast %reduce_sum3A_203 : vector<8xf32> to vector<8x1xf32>
      %roll3A_205 = arith.constant 7 : i32
      %roll3A_206 = tpu.dynamic_rotate %broadcast_in_dim3A_204 by %roll3A_205 dim 0 : vector<8x1xf32>, i32 -> vector<8x1xf32>
      %roll3A_207 = arith.constant 1 : i32
      %roll3A_208 = tpu.dynamic_rotate %broadcast_in_dim3A_204 by %roll3A_207 dim 0 : vector<8x1xf32>, i32 -> vector<8x1xf32>
      %select_n3A_209 = arith.select %eq3A_17, %roll3A_206, %roll3A_208 : vector<8x1xi1>, vector<8x1xf32>
      %add3A_210 = arith.addf %broadcast_in_dim3A_204, %select_n3A_209 : vector<8x1xf32>
      %get3A_211 = arith.constant 0 : index
      %get3A_212 = arith.constant 0 : index
      %get3A_213 = vector.load %arg2[%get3A_211, %get3A_212] : memref<8x8192xf32, #tpu.memory_space<vmem>>, vector<8x8192xf32>
      %select_n3A_214 = arith.select %eq3A_182, %get3A_213, %broadcast_in_dim3A_184 : vector<8x8192xi1>, vector<8x8192xf32>
      %reduce_sum3A_215 = arith.constant dense<0.000000e+00> : vector<8xf32>
      %reduce_sum3A_216 = vector.multi_reduction <add>, %select_n3A_214, %reduce_sum3A_215 [1] : vector<8x8192xf32> to vector<8xf32>
      %broadcast_in_dim3A_217 = vector.shape_cast %reduce_sum3A_216 : vector<8xf32> to vector<8x1xf32>
      %roll3A_218 = arith.constant 7 : i32
      %roll3A_219 = tpu.dynamic_rotate %broadcast_in_dim3A_217 by %roll3A_218 dim 0 : vector<8x1xf32>, i32 -> vector<8x1xf32>
      %roll3A_220 = arith.constant 1 : i32
      %roll3A_221 = tpu.dynamic_rotate %broadcast_in_dim3A_217 by %roll3A_220 dim 0 : vector<8x1xf32>, i32 -> vector<8x1xf32>
      %select_n3A_222 = arith.select %eq3A_17, %roll3A_219, %roll3A_221 : vector<8x1xi1>, vector<8x1xf32>
      %add3A_223 = arith.addf %broadcast_in_dim3A_217, %select_n3A_222 : vector<8x1xf32>
      %jit3A_224 = arith.constant 128 : i32
      %div3A = arith.divsi %scan3A_131, %jit3A_224 : i32
      %sign3A = arith.constant 0 : i32
      %sign3A_225 = arith.cmpi sgt, %scan3A_131, %sign3A : i32
      %sign3A_226 = arith.extui %sign3A_225 : i1 to i32
      %sign3A_227 = arith.constant 0 : i32
      %sign3A_228 = arith.cmpi slt, %scan3A_131, %sign3A_227 : i32
      %sign3A_229 = arith.extui %sign3A_228 : i1 to i32
      %sign3A_230 = arith.subi %sign3A_226, %sign3A_229 : i32
      %sign3A_231 = arith.constant 0 : i32
      %sign3A_232 = arith.cmpi sgt, %jit3A_224, %sign3A_231 : i32
      %sign3A_233 = arith.extui %sign3A_232 : i1 to i32
      %sign3A_234 = arith.constant 0 : i32
      %sign3A_235 = arith.cmpi slt, %jit3A_224, %sign3A_234 : i32
      %sign3A_236 = arith.extui %sign3A_235 : i1 to i32
      %sign3A_237 = arith.subi %sign3A_233, %sign3A_236 : i32
      %ne3A_238 = arith.cmpi ne, %sign3A_230, %sign3A_237 : i32
      %rem3A_239 = arith.remsi %scan3A_131, %jit3A_224 : i32
      %ne3A_240 = arith.constant 0 : i32
      %ne3A_241 = arith.cmpi ne, %rem3A_239, %ne3A_240 : i32
      %and3A_242 = arith.andi %ne3A_238, %ne3A_241 : i1
      %sub3A_243 = arith.constant 1 : i32
      %sub3A_244 = arith.subi %div3A, %sub3A_243 : i32
      %select_n3A_245 = arith.select %and3A_242, %sub3A_244, %div3A : i32
      %mul3A_246 = arith.constant 128 : i32
      %mul3A_247 = arith.muli %select_n3A_245, %mul3A_246 : i32
      %multiple_of3A_248 = tpu.assume_multiple %mul3A_247, 128 : i32
      %sub3A_249 = arith.subi %scan3A_131, %multiple_of3A_248 : i32
      %eq3A_250 = vector.broadcast %sub3A_249 : i32 to vector<8x128xi32>
      %eq3A_251 = arith.cmpi eq, %iota3A_22, %eq3A_250 : vector<8x128xi32>
      %get3A_252 = arith.constant 0 : index
      %get3A_253 = arith.index_cast %multiple_of3A_248 : i32 to index
      %get3A_254 = vector.load %arg5[%get3A_252, %get3A_253] : memref<8x2048xf32, #tpu.memory_space<vmem>>, vector<8x128xf32>
      %broadcast_in_dim3A_255 = vector.shape_cast %add3A_197 : vector<8x1xf32> to vector<8x1xf32>
      %broadcast_in_dim3A_256 = vector.broadcast %broadcast_in_dim3A_255 : vector<8x1xf32> to vector<8x128xf32>
      %select_n3A_257 = arith.select %eq3A_251, %broadcast_in_dim3A_256, %get3A_254 : vector<8x128xi1>, vector<8x128xf32>
      %swap3A_258 = arith.constant 0 : index
      %swap3A_259 = arith.index_cast %multiple_of3A_248 : i32 to index
      %swap3A_260 = vector.load %arg5[%swap3A_258, %swap3A_259] : memref<8x2048xf32, #tpu.memory_space<vmem>>, vector<8x128xf32>
      tpu.vector_store %arg5[%swap3A_258, %swap3A_259], %select_n3A_257 {strides = array<i32>} : memref<8x2048xf32, #tpu.memory_space<vmem>>, vector<8x128xf32>,
      %get3A_261 = arith.constant 0 : index
      %get3A_262 = arith.index_cast %multiple_of3A_248 : i32 to index
      %get3A_263 = vector.load %arg6[%get3A_261, %get3A_262] : memref<8x2048xf32, #tpu.memory_space<vmem>>, vector<8x128xf32>
      %broadcast_in_dim3A_264 = vector.shape_cast %add3A_210 : vector<8x1xf32> to vector<8x1xf32>
      %broadcast_in_dim3A_265 = vector.broadcast %broadcast_in_dim3A_264 : vector<8x1xf32> to vector<8x128xf32>
      %select_n3A_266 = arith.select %eq3A_251, %broadcast_in_dim3A_265, %get3A_263 : vector<8x128xi1>, vector<8x128xf32>
      %swap3A_267 = arith.constant 0 : index
      %swap3A_268 = arith.index_cast %multiple_of3A_248 : i32 to index
      %swap3A_269 = vector.load %arg6[%swap3A_267, %swap3A_268] : memref<8x2048xf32, #tpu.memory_space<vmem>>, vector<8x128xf32>
      tpu.vector_store %arg6[%swap3A_267, %swap3A_268], %select_n3A_266 {strides = array<i32>} : memref<8x2048xf32, #tpu.memory_space<vmem>>, vector<8x128xf32>,
      %get3A_270 = arith.constant 0 : index
      %get3A_271 = arith.index_cast %multiple_of3A_248 : i32 to index
      %get3A_272 = vector.load %arg7[%get3A_270, %get3A_271] : memref<8x2048xf32, #tpu.memory_space<vmem>>, vector<8x128xf32>
      %broadcast_in_dim3A_273 = vector.shape_cast %add3A_223 : vector<8x1xf32> to vector<8x1xf32>
      %broadcast_in_dim3A_274 = vector.broadcast %broadcast_in_dim3A_273 : vector<8x1xf32> to vector<8x128xf32>
      %select_n3A_275 = arith.select %eq3A_251, %broadcast_in_dim3A_274, %get3A_272 : vector<8x128xi1>, vector<8x128xf32>
      %swap3A_276 = arith.constant 0 : index
      %swap3A_277 = arith.index_cast %multiple_of3A_248 : i32 to index
      %swap3A_278 = vector.load %arg7[%swap3A_276, %swap3A_277] : memref<8x2048xf32, #tpu.memory_space<vmem>>, vector<8x128xf32>
      tpu.vector_store %arg7[%swap3A_276, %swap3A_277], %select_n3A_275 {strides = array<i32>} : memref<8x2048xf32, #tpu.memory_space<vmem>>, vector<8x128xf32>,
      scf.yield %add3A_197, %add3A_210, %add3A_223 : vector<8x1xf32>, vector<8x1xf32>, vector<8x1xf32>
    }
    %scan3A_103 = arith.constant 2047 : i32
    %get3A_104 = arith.constant 0 : index
    %get3A_105 = arith.constant 0 : index
    %get3A_106 = vector.load %arg5[%get3A_104, %get3A_105] : memref<8x2048xf32, #tpu.memory_space<vmem>>, vector<8x2048xf32>
    %swap3A_107 = arith.constant 0 : index
    %swap3A_108 = arith.constant 0 : index
    %swap3A_109 = arith.constant 0 : index
    %swap3A_110 = vector.load %arg3[%swap3A_107, %swap3A_108, %swap3A_109] : memref<3x8x2048xf32, #tpu.memory_space<vmem>>, vector<1x8x2048xf32>
    %swap3A_111 = vector.shape_cast %swap3A_110 : vector<1x8x2048xf32> to vector<8x2048xf32>
    %swap3A_112 = vector.shape_cast %get3A_106 : vector<8x2048xf32> to vector<1x8x2048xf32>
    tpu.vector_store %arg3[%swap3A_107, %swap3A_108, %swap3A_109], %swap3A_112 {strides = array<i32>} : memref<3x8x2048xf32, #tpu.memory_space<vmem>>, vector<1x8x2048xf32>,
    %get3A_113 = arith.constant 0 : index
    %get3A_114 = arith.constant 0 : index
    %get3A_115 = vector.load %arg6[%get3A_113, %get3A_114] : memref<8x2048xf32, #tpu.memory_space<vmem>>, vector<8x2048xf32>
    %swap3A_116 = arith.constant 1 : index
    %swap3A_117 = arith.constant 0 : index
    %swap3A_118 = arith.constant 0 : index
    %swap3A_119 = vector.load %arg3[%swap3A_116, %swap3A_117, %swap3A_118] : memref<3x8x2048xf32, #tpu.memory_space<vmem>>, vector<1x8x2048xf32>
    %swap3A_120 = vector.shape_cast %swap3A_119 : vector<1x8x2048xf32> to vector<8x2048xf32>
    %swap3A_121 = vector.shape_cast %get3A_115 : vector<8x2048xf32> to vector<1x8x2048xf32>
    tpu.vector_store %arg3[%swap3A_116, %swap3A_117, %swap3A_118], %swap3A_121 {strides = array<i32>} : memref<3x8x2048xf32, #tpu.memory_space<vmem>>, vector<1x8x2048xf32>,
    %get3A_122 = arith.constant 0 : index
    %get3A_123 = arith.constant 0 : index
    %get3A_124 = vector.load %arg7[%get3A_122, %get3A_123] : memref<8x2048xf32, #tpu.memory_space<vmem>>, vector<8x2048xf32>
    %swap3A_125 = arith.constant 2 : index
    %swap3A_126 = arith.constant 0 : index
    %swap3A_127 = arith.constant 0 : index
    %swap3A_128 = vector.load %arg3[%swap3A_125, %swap3A_126, %swap3A_127] : memref<3x8x2048xf32, #tpu.memory_space<vmem>>, vector<1x8x2048xf32>
    %swap3A_129 = vector.shape_cast %swap3A_128 : vector<1x8x2048xf32> to vector<8x2048xf32>
    %swap3A_130 = vector.shape_cast %get3A_124 : vector<8x2048xf32> to vector<1x8x2048xf32>
    tpu.vector_store %arg3[%swap3A_125, %swap3A_126, %swap3A_127], %swap3A_130 {strides = array<i32>} : memref<3x8x2048xf32, #tpu.memory_space<vmem>>, vector<1x8x2048xf32>,
    return
  }
}

</mosaic_0001>

<sc_bundles>
// kernel: kernel.4.cloned.1.call-start
scs
__scs_entry_jumppad:
0x0: {  	(pc) =	sbr.rel $0x88, $3  }
0x1: {  	(tag) =	ssettag $0x0;
	lr =	simm.s32 $0x1  }
0x2: {  	[smem:$0x3FA0] =	sst lr;
	_ =	strace $0xD0000000  }
0x3: {  	_ = 	snop  }
0x4: {  	_ = 	snop  }
0x5: {  	_ = 	snop  }
0x6: {  	_ = 	snop  }
0x7: {  	_ = 	snop  }
__scs_overlays_trampoline_lowered:
0x8: {  	[smem:$0x3FAF] =	sst s0  }
0x9: {  	[smem:$0x3FB0] =	sst s1  }
0xa: {  	[smem:$0x3FB1] =	sst s2  }
0xb: {  	[smem:$0x3FB2] =	sst s3  }
0xc: {  	[smem:$0x3FB3] =	sst s4  }
0xd: {  	[smem:$0x3FB4] =	sst s5  }
0xe: {  	[smem:$0x3FB5] =	sst s6  }
0xf: {  	[smem:$0x3FB6] =	sst s7  }
0x10: {  	[smem:$0x3FB7] =	sst s8  }
0x11: {  	[smem:$0x3FB8] =	sst s9;
	s0 =	simm.s32 @!p0 $0x0  }
0x12: {  	s1 =	sld [smem:$0x3F9E];
	s0 =	simm.s32 @p0 $0x1  }
0x13: {  	[smem:$0x3FB9] =	sst s0;
	s0 =	simm.s32 @!p1 $0x0  }
0x14: {  	s2 =	sld [smem:$0x3F9D];
	s0 =	simm.s32 @p1 $0x1  }
0x15: {  	[smem:$0x3FBA] =	sst s0;
	s0 =	simm.s32 @!p2 $0x0  }
0x16: {  	s3 =	sld [smem:$0x3FDB];
	s0 =	simm.s32 @p2 $0x1  }
0x17: {  	s4 =	simm.s32 $0x1BF5;
	[smem:$0x3FBC] =	sst s0  }
0x18: {  	s0 =	sld [smem:$0x3F9F];
	_ =	swait.ge [sflag:s4], $0x0  }
0x19: {  	s7 =	sld [smem:$0x3FA0]  }
0x1a: {  	s8 =	sadd.s32 $0xFFFFE003, lr  }
0x1b: {  	s9 =	sadd.s32 $0xFFFFFEF7, lr;
	s5 =	simm.s32 $0xFFFFFFFF;
	p2 =	slt.u32 s8, $0xFFFFF086  }
0x1c: {  	p1 =	slt.u32 s9, $0xF7A;
	s5 =	simm.s32 @!p2 $0x0  }
0x1d: {  	s5 =	simm.s32 @p1 $0x1;
	p0 =	seq.s32 s7, s2  }
0x1e: {  	s7 =	smul.u32 @!p0 $0xF7A, s2;
	p2 =	seq.s32 @!p0 s5, $0x0  }
0x1f: {  	s9 =	smul.u32 $0xF7A, s1;
	s8 =	simm.s32 @!p0 $0x1BF5;
	p2 =	por !p2, p0  }
0x20: {  	[sflag:s8] =	ssyncset.s32 @!p0 $0xFFFFF086;
	s6 =	sadd.s32 @!p0 s3, s7;
	s7 =	simm.s32 @!p0 $0x108  }
0x21: {  	s3 =	sadd.s32 s3, s9;
	s6 =	sadd.s32 @!p0 $0x88, s6;
	s7 =	simm.s32 @p2 $0x1082  }
0x22: {  	[simem:s7], [sflag:s8] =	dma.local @!p0 [hbm:s6], $0xF7A  }
0x23: {  	s9 =	sor.u32 $0xD0000000, s2;
	s6 =	simm.s32 $0x108;
	_ =	swait.ge @!p0 [sflag:s8], $0x0  }
0x24: {  	s3 =	sadd.s32 $0x88, s3;
	s6 =	simm.s32 @!p1 $0x1082;
	[sflag:s4] =	ssyncset.s32 $0xFFFFF086  }
0x25: {  	[simem:s6], [sflag:s4] =	dma.local [hbm:s3], $0xF7A  }
0x26: {  	[smem:$0x3FA0] =	sst s1;
	(tag) =	ssettag s2;
	_ =	strace s9  }
0x27: {  	s1 =	sld [smem:$0x3FB0]  }
0x28: {  	s2 =	sld [smem:$0x3FB1]  }
0x29: {  	s4 =	sld [smem:$0x3FB3]  }
0x2a: {  	p0 =	seq.s32 s5, $0x0;
	s5 =	sld [smem:$0x3FB4]  }
0x2b: {  	s6 =	sld [smem:$0x3FB5]  }
0x2c: {  	s7 =	sld [smem:$0x3FB6]  }
0x2d: {  	s3 =	simm.s32 $0x108;
	s8 =	sld [smem:$0x3FB7]  }
0x2e: {  	s3 =	simm.s32 @!p0 $0x1082;
	s9 =	sld [smem:$0x3FB8]  }
0x2f: {  	lr =	sadd.s32 s0, s3;
	s0 =	sld [smem:$0x3FAF]  }
0x30: {  	s3 =	sld [smem:$0x3FB2]  }
0x31: {  	[smem:$0x3FBB] =	sst s10  }
0x32: {  	s10 =	sld [smem:$0x3FB9];
	_ =	sdelay $0x3  }
0x33: {  	p0 =	seq.s32 s10, $0x1;
	s10 =	sld [smem:$0x3FBB];
	_ =	sdelay $0x3  }
0x34: {  	[smem:$0x3FBB] =	sst s10  }
0x35: {  	s10 =	sld [smem:$0x3FBA];
	_ =	sdelay $0x3  }
0x36: {  	p1 =	seq.s32 s10, $0x1;
	s10 =	sld [smem:$0x3FBB];
	_ =	sdelay $0x3  }
0x37: {  	[smem:$0x3FBB] =	sst s10  }
0x38: {  	s10 =	sld [smem:$0x3FBC]  }
0x39: {  	_ = 	snop;
	(pc) =	sbr.ind lr, $3  }
0x3a: {  	_ = 	snop  }
0x3b: {  	_ = 	snop  }
0x3c: {  	p2 =	seq.s32 s10, $0x1;
	s10 =	sld [smem:$0x3FBB]  }
0x3d: {  	_ =	shalt  }
0x3e: {  	_ =	shalt  }
0x3f: {  	_ =	shalt  }
0x40: {  	_ =	shalt  }
0x41: {  	_ =	shalt  }
0x42: {  	_ =	shalt  }
0x43: {  	_ =	shalt  }
0x44: {  	_ =	shalt  }
0x45: {  	_ =	shalt  }
0x46: {  	_ =	shalt  }
0x47: {  	_ =	shalt  }
0x48: {  	_ =	shalt  }
0x49: {  	_ =	shalt  }
0x4a: {  	_ =	shalt  }
0x4b: {  	_ =	shalt  }
0x4c: {  	_ =	shalt  }
0x4d: {  	_ =	shalt  }
0x4e: {  	_ =	shalt  }
0x4f: {  	_ =	shalt  }
0x50: {  	_ =	shalt  }
0x51: {  	_ =	shalt  }
0x52: {  	_ =	shalt  }
0x53: {  	_ =	shalt  }
0x54: {  	_ =	shalt  }
0x55: {  	_ =	shalt  }
0x56: {  	_ =	shalt  }
0x57: {  	_ =	shalt  }
0x58: {  	_ =	shalt  }
0x59: {  	_ =	shalt  }
0x5a: {  	_ =	shalt  }
0x5b: {  	_ =	shalt  }
0x5c: {  	_ =	shalt  }
0x5d: {  	_ =	shalt  }
0x5e: {  	_ =	shalt  }
0x5f: {  	_ =	shalt  }
0x60: {  	_ =	shalt  }
0x61: {  	_ =	shalt  }
0x62: {  	_ =	shalt  }
0x63: {  	_ =	shalt  }
0x64: {  	_ =	shalt  }
0x65: {  	_ =	shalt  }
0x66: {  	_ =	shalt  }
0x67: {  	_ =	shalt  }
0x68: {  	_ =	shalt  }
0x69: {  	_ =	shalt  }
0x6a: {  	_ =	shalt  }
0x6b: {  	_ =	shalt  }
0x6c: {  	_ =	shalt  }
0x6d: {  	_ =	shalt  }
0x6e: {  	_ =	shalt  }
0x6f: {  	_ =	shalt  }
0x70: {  	_ =	shalt  }
0x71: {  	_ =	shalt  }
0x72: {  	_ =	shalt  }
0x73: {  	_ =	shalt  }
0x74: {  	_ =	shalt  }
0x75: {  	_ =	shalt  }
0x76: {  	_ =	shalt  }
0x77: {  	_ =	shalt  }
0x78: {  	_ =	shalt  }
0x79: {  	_ =	shalt  }
0x7a: {  	_ =	shalt  }
0x7b: {  	_ =	shalt  }
0x7c: {  	_ =	shalt  }
0x7d: {  	_ =	shalt  }
0x7e: {  	_ =	shalt  }
0x7f: {  	_ =	shalt  }
0x80: {  	_ =	shalt  }
0x81: {  	_ =	shalt  }
0x82: {  	_ =	shalt  }
0x83: {  	_ =	shalt  }
0x84: {  	_ =	shalt  }
0x85: {  	_ =	shalt  }
0x86: {  	_ =	shalt  }
0x87: {  	_ =	shalt  }
.Lfunc_end0:
.L_simem_size_0:
called_computation_lowered:
.L_overlay_start_0:
0x88: {  	s2 =	sld [smem:$0x3FD9]  }
0x89: {  	s3 =	sld [smem:$0x3FFE];
	_ =	sdelay $0x1  }
0x8a: {  	s1 =	srdreg.scid  }
0x8b: {  	s0 =	sand.u32 $0x1, s1  }
0x8c: {  	s16 =	sshll.u32 s0, $0xA;
	s2 =	sadd.s32 s3, s2  }
0x8d: {  	s2 =	sadd.s32 s2, s16  }
0x8e: {  	[smem:$0x3FC7] =	sst s2  }
0x8f: {  	_ = 	snop  }
0x90: {  	(tm) =	ssettm $0x1  }
0x91: {  	s17 =	sld [smem:$0x3FFB];
	_ =	sdelay $0x3  }
0x92: {  	_ =	strace s17  }
0x93: {  	s2 =	sld [smem:$0x3FFC];
	_ =	sdelay $0x3  }
0x94: {  	_ =	strace s2  }
0x95: {  	s2 =	sld [smem:$0x3FFD];
	_ =	sdelay $0x3  }
0x96: {  	_ =	strace s2  }
0x97: {  	_ =	strace $0x8FFFFFFF  }
0x98: {  	s18 =	sld [smem:$0x3FDB];
	_ =	sdelay $0x1  }
0x99: {  	s19 =	simm.s32 $_scs_section_size  }
0x9a: {  	s4 =	simm.s32 $_size__tile_overlayer_lowered;
	s5 =	simm.s32 $_tile_overlayer_lowered  }
0x9b: {  	s22 =	simm.s32 $0x1BFF;
	s21 =	sshll.u32 s5, $0x1;
	s2 =	sadd.s32 s19, s18  }
0x9c: {  	s6 =	simm.s32 $0x0;
	s20 =	sshll.u32 s4, $0x1;
	s4 =	sadd.s32 s21, s2  }
0x9d: {  	[timem:s6], [sflag:s22] =	dma.local [hbm:s4], s20  }
0x9e: {  	_ =	swait.ge [sflag:s22], s20  }
0x9f: {  	s3 =	ssub.s32 $0x0, s20;
	[sflag:s22] =	ssyncset.done $0x0  }
0xa0: {  	[sflag:s22] =	ssyncadd.s32 s3;
	_ =	sdelay $0x1  }
0xa1: {  	s23 =	simm.s32 $0x1B8B  }
0xa2: {  	_ =	swait.ge [sflag:s23], $0x1  }
0xa3: {  	[sflag:s23] =	ssyncset.done $0x0  }
0xa4: {  	s25 =	simm.s32 $0x1B8E;
	s24 =	sld [smem:$0x3FFE];
	[sflag:s23] =	ssyncadd.s32 $0xFFFFFFFF  }
0xa5: {  	s26 =	simm.s32 $execute0_lowered;
	[smem:$0x3FD2] =	sst s25  }
0xa6: {  	s4 =	sshll.u32 s26, $0x1;
	_ =	strace $0x80000046;
	[dreg:$0x1] =	wrdreg $0xFFFFFFFF  }
0xa7: {  	s28 =	simm.s32 $_size_execute0_lowered;
	s2 =	sadd.s32 s2, s4;
	[dreg:$0x0] =	wrdreg $0x0  }
0xa8: {  	s4 =	sshll.u32 s28, $0x1;
	[dreg:$0x2] =	wrdreg s2  }
0xa9: {  	[dreg:$0x3] =	wrdreg s4  }
0xaa: {  	[dreg:$0x4] =	wrdreg $0xC0  }
0xab: {  	_ =	task [dreg:s6], $0x5FFFF  }
0xac: {  	[dreg:$0x1] =	wrdreg $0xFFFFFFFF  }
0xad: {  	[dreg:$0x0] =	wrdreg $0x60  }
0xae: {  	[dreg:$0x2] =	wrdreg s24  }
0xaf: {  	[dreg:$0x3] =	wrdreg $0xA0900  }
0xb0: {  	[dreg:$0x4] =	wrdreg $0x9  }
0xb1: {  	_ =	task.clear_ibuf [dreg:s6], $0x5FFFF;
	_ =	strace $0x90000046  }
0xb2: {  	s29 =	simm.s32 $0x9;
	_ =	strace $0x80000048  }
0xb3: {  	_ =	swait.ge [sflag:s29], $0x1  }
0xb4: {  	[sflag:s29] =	ssyncadd.s32 $0xFFFFFFFF  }
0xb5: {  	_ =	strace $0x90000048  }
0xb6: {  	_ =	sfence  }
0xb7: {  	s30 =	sld [smem:$0x0];
	_ =	sdelay $0x2  }
0xb8: {  	s31 =	sshll.u32 s1, $0xD;
	s1 =	sshrl.u32 s1, $0x2  }
0xb9: {  	s3 =	sand.u32 $0x4000, s31;
	s1 =	sadd.s32 s1, s30  }
0xba: {  	s0 =	sor.u32 s3, s0;
	s1 =	sshll.u32 s1, $0x11  }
0xbb: {  	s0 =	sor.u32 s1, s0  }
0xbc: {  	s0 =	sadd.s32 $0x8F2B, s0  }
0xbd: {  	[sflag:s0] =	ssyncadd.remote.s32 $0x1  }
0xbe: {  	_ =	sfence.sel $0xFFFF  }
0xbf: {  	[dreg:$0x0] =	wrdreg $0xFFFFFFFF;
	(pc) =	sbr.abs _section_cstart, $3  }
0xc0: {  	[dreg:$0x1] =	wrdreg $0xFFFFFFFF  }
0xc1: {  	_ =	task.clear_ibuf [dreg:s6], $0x2FFFF;
	_ =	strace $0x9FFFFFFF  }
0xc2: {  	(tm) =	ssettm $0x7FFFFFFF  }
0xc3: {  	_ =	shalt  }
tec
execute0_lowered:
.L_overlay_start_1:
0x0: {  	(tag) =	ssettag $0x1  }
0x1: {  	s4 =	rddreg [dreg:$0x0]  }
0x2: {  	s11 =	rddreg [dreg:$0x1]  }
0x3: {  	s0 =	rddreg [dreg:$0x2];
	s1 =	simm.s32 $0x0;
	s3 =	srdreg.scid  }
0x4: {  	s2 =	stileid.u32;
	s17 =	simm.s32 $0x2000;
	s18 =	simm.s32 $0x2010  }
0x5: {  	s19 =	simm.s32 $0x2090;
	s20 =	simm.s32 $0x0;
	[smem:$0x7FF] =	sst s1  }
0x6: {  	s7 =	sadd.s32 $0x4C00, s4;
	s3 =	sand.u32 $0x1, s3;
	s8 =	sadd.s32 $0x2C00, s4  }
0x7: {  	s10 =	sshrl.u32 s2, $0x3;
	s9 =	sadd.s32 $0xC00, s4;
	s15 =	sand.u32 $0x7, s2  }
0x8: {  	s30 =	sshll.u32 s2, $0x4;
	_ =	strace $0x80000047;
	s5 =	sshll.u32 s3, $0x1  }
0x9: {  	s29 =	ssub.s32 $0x2, s3;
	s3 =	sshll.u32 s15, $0xB;
	s31 =	sshll.u32 s10, $0x7  }
0xa: {  	p0 =	sne.s32 s15, $0x0;
	s15 =	simm.s32 $0x800;
	s6 =	sor.u32 s10, s5  }
0xb: {  	s14 =	sshrl.u32 s29, $0x1;
	s10 =	sadd.s32 s30, s11;
	s12 =	sshll.u32 s6, $0xE  }
0xc: {  	s11 =	sadd.s32 s31, s11;
	s13 =	sshll.u32 s6, $0xC;
	s12 =	sor.u32 s3, s12  }
.Ltmp0:
0xd: {  	s14 =	ssub.s32 s29, s14;
	s12 =	sshrl.u32 s12, $0x3;
	(pc) =	sbr.rel .LBB2_1-.Ltmp0, $4  }
0xe: {  	s16 =	sshll.u32 s6, $0xB;
	s13 =	sadd.s32 s13, s4;
	s4 =	sadd.s32 s7, s12  }
0xf: {  	v0 =	vlaneseq.u32;
	v2 =	vimm.f32 $+Inf;
	s5 =	sadd.s32 s8, s12;
	s6 =	sadd.s32 s9, s12;
	s7 =	sadd.s32 s7, s16  }
0x10: {  	vm2 =	vcmask $0x3F10;
	vm3 =	vcmask $0x3F0C;
	vm4 =	vmmov $0x1;
	s8 =	sadd.s32 s8, s16;
	s9 =	sadd.s32 s9, s16;
	s12 =	sadd.s32 $0x6C00, s13  }
0x11: {  	v1 =	vor.u32 s3, v0;
	vm0 =	vcmask @!p0 $0x710;
	vm1 =	vcmask @!p0 $0x70C;
	s13 =	smax.u32 s14, $0x1;
	s14 =	simm.s32 $0x1;
	s16 =	simm.s32 $0x1000  }
.LBB2_8:
0x12: {  	[hbm4b:s12+s1] =	stream.linear.scatter [tilespmem:s19], [sflag:$0x1], $0x8000, $0x38;
	[tilespmem:$0xA0A0] =	vst v63  }
0x13: {  	_ =	swait.ge [sflag:s14], $0x8000  }
0x14: {  	[sflag:s14] =	ssyncset.done $0x0  }
0x15: {  	[sflag:s14] =	ssyncadd.s32 $0xFFFF8000  }
.LBB2_9:
0x16: {  	s20 =	sadd.s32 $0x1, s20  }
0x17: {  	p1 =	sne.s32 s20, s13  }
.Ltmp1:
0x18: {  	_ = 	snop;
	(pc) =	sbr.rel @!p1 .LBB2_10-.Ltmp1, $1  }
0x19: {  	_ =	sdelay $0x3  }
.LBB2_1:
0x1a: {  	[tilespmem:s1], [sflag:$0x1] =	stream.linear.gather [hbm4b:s4+s1], $0x800, $0x38;
	[tilespmem:$0xA0A0] =	vst v63  }
0x1b: {  	_ =	swait.ge [sflag:s14], $0x800  }
0x1c: {  	[sflag:s14] =	ssyncset.done $0x0  }
0x1d: {  	[sflag:s14] =	ssyncadd.s32 $0xFFFFF800  }
0x1e: {  	[tilespmem:s15], [sflag:$0x1] =	stream.linear.gather [hbm4b:s5+s1], $0x800, $0x38;
	[tilespmem:$0xA0A0] =	vst v63  }
0x1f: {  	_ =	swait.ge [sflag:s14], $0x800  }
0x20: {  	[sflag:s14] =	ssyncset.done $0x0  }
0x21: {  	[sflag:s14] =	ssyncadd.s32 $0xFFFFF800  }
0x22: {  	[tilespmem:s16], [sflag:$0x1] =	stream.linear.gather [hbm4b:s6+s1], $0x800, $0x38;
	[tilespmem:$0xA0A0] =	vst v63  }
0x23: {  	_ =	swait.ge [sflag:s14], $0x800  }
0x24: {  	[sflag:s14] =	ssyncset.done $0x0  }
0x25: {  	s21 =	simm.s32 $0x40;
	s22 =	simm.s32 $0x0;
	[sflag:s14] =	ssyncadd.s32 $0xFFFFF800  }
.LBB2_2:
0x26: {  	p1 =	sne.s32 s21, $0x1FC0;
	[tilespmem:s22+$0x1800] =	vst v2;
	s22 =	smov.u32 s21;
	s21 =	sadd.s32 $0x40, s21  }
.Ltmp2:
0x27: {  	(pc) =	sbr.rel @p1 .LBB2_2-.Ltmp2, $2  }
0x28: {  	_ =	sdelay $0x2  }
0x29: {  	s22 =	sshra.s32 s22, $0x2  }
0x2a: {  	[tilespmem:s22+$0x1800] =	vst v2  }
0x2b: {  	[tilespmem:s17], [sflag:$0x1] =	stream.linear.gather [hbm4b:s7+s1], $0x10, $0x38;
	[tilespmem:$0xA0A0] =	vst v63  }
0x2c: {  	_ =	swait.ge [sflag:s14], $0x10  }
0x2d: {  	[sflag:s14] =	ssyncset.done $0x0  }
0x2e: {  	[sflag:s14] =	ssyncadd.s32 $0xFFFFFFF0  }
0x2f: {  	v3 =	vld [tilespmem:$0x2000];
	_ =	sdelay $0x4  }
0x30: {  	(v2sf) =	vpush v3, $0x0;
	_ =	sdelay $0xd  }
0x31: {  	[tilespmem:s17], [sflag:$0x1] =	stream.linear.gather [hbm4b:s8+s1], $0x10, $0x38;
	[tilespmem:$0xA0A0] =	vst v63  }
0x32: {  	s22 =	spop (v2sf)  }
0x33: {  	_ =	swait.ge [sflag:s14], $0x10  }
0x34: {  	[sflag:s14] =	ssyncset.done $0x0  }
0x35: {  	[sflag:s14] =	ssyncadd.s32 $0xFFFFFFF0  }
0x36: {  	v4 =	vld [tilespmem:$0x2000];
	_ =	sdelay $0x4  }
0x37: {  	(v2sf) =	vpush v4, $0x0;
	_ =	sdelay $0xd  }
0x38: {  	[tilespmem:s17], [sflag:$0x1] =	stream.linear.gather [hbm4b:s9+s1], $0x10, $0x38;
	[tilespmem:$0xA0A0] =	vst v63  }
0x39: {  	s23 =	spop (v2sf)  }
0x3a: {  	_ =	swait.ge [sflag:s14], $0x10  }
0x3b: {  	[sflag:s14] =	ssyncset.done $0x0  }
0x3c: {  	[sflag:s14] =	ssyncadd.s32 $0xFFFFFFF0  }
0x3d: {  	v5 =	vld [tilespmem:$0x2000];
	_ =	sdelay $0x4  }
0x3e: {  	(v2sf) =	vpush v5, $0x0;
	_ =	sdelay $0xa  }
.Ltmp3:
0x3f: {  	v4 =	vbroadcast @!p0 v4, $0x0;
	v5 =	vbroadcast @!p0 v5, $0x0;
	(pc) =	sbr.rel .LBB2_4-.Ltmp3, $4  }
0x40: {  	v3 =	vbroadcast @!p0 v3, $0x0  }
0x41: {  	v4 =	vsel @!p0 vm0, v5, v4  }
0x42: {  	v3 =	vsel @!p0 vm1, v4, v3  }
0x43: {  	s21 =	simm.s32 $0x1;
	[tilespmem:$0x2090] =	vst @!p0 v3;
	s24 =	spop (v2sf)  }
.LBB2_7:
0x44: {  	(v2sf) =	vpush v3, $0x2  }
0x45: {  	(v2sf) =	vpush v3, $0x3  }
0x46: {  	(v2sf) =	vpush v3, $0x4;
	_ =	sdelay $0x8  }
0x47: {  	s23 =	sshll.u32 s21, $0x4;
	s21 =	sadd.s32 $0x1, s21  }
0x48: {  	p1 =	seq.s32 s21, $0x800  }
.Ltmp4:
0x49: {  	_ = 	snop;
	(pc) =	sbr.rel @p1 .LBB2_8-.Ltmp4, $4  }
0x4a: {  	_ = 	snop  }
0x4b: {  	s22 =	spop (v2sf)  }
0x4c: {  	s24 =	sand.u32 $0x3FFFFFF0, s23;
	s23 =	spop (v2sf)  }
0x4d: {  	[tilespmem:s24+$0x2090] =	vst v3;
	s24 =	spop (v2sf)  }
.LBB2_4:
0x4e: {  	s25 =	simm.s32 $0x840  }
0x4f: {  	v6 =	vld [tilespmem:s25+$0x20]  }
0x50: {  	v7 =	vld [tilespmem:s25+$0x30]  }
0x51: {  	v8 =	vld [tilespmem:s25+$0x0]  }
0x52: {  	s26 =	simm.s32 $0x40;
	v9 =	vld [tilespmem:s25+$0x10]  }
0x53: {  	s28 =	simm.s32 $0x1040;
	v10 =	vld [tilespmem:s26+$0x20]  }
0x54: {  	v11 =	vld [tilespmem:s28+$0x20]  }
0x55: {  	v12 =	vld [tilespmem:s26+$0x30]  }
0x56: {  	v13 =	vld [tilespmem:s28+$0x30]  }
0x57: {  	v14 =	vld [tilespmem:s25+$0xFFFFFFE0]  }
0x58: {  	v15 =	vld [tilespmem:s25+$0xFFFFFFF0]  }
0x59: {  	v16 =	vld [tilespmem:s26+$0x0]  }
0x5a: {  	v17 =	vld [tilespmem:s28+$0x0]  }
0x5b: {  	v3 =	vmov s22;
	v5 =	vmov s23;
	v19 =	vld [tilespmem:s26+$0x10]  }
0x5c: {  	v4 =	vmov s24;
	v18 =	vimm.f32 $-Inf;
	v22 =	vld [tilespmem:s28+$0x10];
	v20 =	vsub.f32 v6, v5  }
0x5d: {  	s29 =	simm.s32 $0x0;
	v21 =	vimm.s32 $0x0;
	v24 =	vld [tilespmem:s25+$0xFFFFFFC0];
	v8 =	vsub.f32 v8, v5;
	v7 =	vsub.f32 v7, v5  }
0x5e: {  	s31 =	simm.s32 $0x40;
	v23 =	vor.u32 s29, v1;
	v25 =	vld [tilespmem:s25+$0xFFFFFFD0];
	v9 =	vsub.f32 v9, v5;
	v10 =	vsub.f32 v10, v3  }
0x5f: {  	s23 =	simm.s32 $0x50;
	v26 =	vld [tilespmem:s26+$0xFFFFFFE0];
	v27 =	vor.u32 s31, v1;
	v11 =	vsub.f32 v11, v4;
	v12 =	vsub.f32 v12, v3  }
0x60: {  	s24 =	simm.s32 $0x20;
	v28 =	vld [tilespmem:s28+$0xFFFFFFE0];
	v29 =	vor.u32 s23, v1;
	v14 =	vsub.f32 v14, v5;
	v13 =	vsub.f32 v13, v4  }
0x61: {  	v30 =	vld [tilespmem:s26+$0xFFFFFFF0];
	v31 =	vor.u32 s24, v1;
	s25 =	simm.s32 $0x30;
	v15 =	vsub.f32 v15, v5;
	v16 =	vsub.f32 v16, v3  }
0x62: {  	s30 =	simm.s32 $0x60;
	v32 =	vld [tilespmem:s28+$0xFFFFFFF0];
	v33 =	vor.u32 s25, v1;
	v17 =	vsub.f32 v17, v4;
	v19 =	vsub.f32 v19, v3  }
0x63: {  	v34 =	vld [tilespmem:s26+$0xFFFFFFC0];
	v6 =	vor.u32 s30, v1;
	v24 =	vsub.f32 v24, v5;
	v22 =	vsub.f32 v22, v4  }
0x64: {  	v35 =	vld [tilespmem:s28+$0xFFFFFFC0];
	v25 =	vsub.f32 v25, v5;
	v26 =	vsub.f32 v26, v3;
	v20 =	vmul.f32 v20, v20  }
0x65: {  	v36 =	vld [tilespmem:s26+$0xFFFFFFD0];
	v28 =	vsub.f32 v28, v4;
	v7 =	vmul.f32 v7, v7;
	v8 =	vmul.f32 v8, v8  }
0x66: {  	v37 =	vld [tilespmem:s28+$0xFFFFFFD0];
	v30 =	vsub.f32 v30, v3;
	v9 =	vmul.f32 v9, v9;
	v10 =	vmul.f32 v10, v10  }
0x67: {  	v32 =	vsub.f32 v32, v4;
	v11 =	vmul.f32 v11, v11;
	v12 =	vmul.f32 v12, v12  }
0x68: {  	s22 =	simm.s32 $0x1840;
	v34 =	vsub.f32 v34, v3;
	v13 =	vmul.f32 v13, v13;
	v16 =	vmul.f32 v16, v16  }
0x69: {  	v38 =	vld [tilespmem:s22+$0x20];
	s26 =	simm.s32 $0x10C0;
	v35 =	vsub.f32 v35, v4;
	v17 =	vmul.f32 v17, v17;
	v19 =	vmul.f32 v19, v19  }
0x6a: {  	s25 =	simm.s32 $0xC0;
	v43 =	vld [tilespmem:s26+$0xFFFFFFE0];
	v36 =	vsub.f32 v36, v3;
	v22 =	vmul.f32 v22, v22;
	v26 =	vmul.f32 v26, v26  }
0x6b: {  	v45 =	vld [tilespmem:s25+$0xFFFFFFF0];
	v37 =	vsub.f32 v37, v4;
	v28 =	vmul.f32 v28, v28;
	v30 =	vmul.f32 v30, v30  }
0x6c: {  	v39 =	vld [tilespmem:s22+$0x30];
	v32 =	vmul.f32 v32, v32;
	v34 =	vmul.f32 v34, v34;
	v10 =	vadd.f32 v11, v10  }
0x6d: {  	v40 =	vld [tilespmem:s22+$0x0];
	v35 =	vmul.f32 v35, v35;
	v11 =	vadd.f32 v13, v12;
	v13 =	vadd.f32 v17, v16  }
0x6e: {  	v54 =	vld [tilespmem:s22+$0xFFFFFFD0];
	v36 =	vmul.f32 v36, v36;
	v16 =	vadd.f32 v22, v19;
	v19 =	vadd.f32 v28, v26  }
0x6f: {  	v49 =	vld [tilespmem:s25+$0xFFFFFFC0];
	v12 =	vmul.f32 v37, v37;
	v22 =	vadd.f32 v32, v30;
	v28 =	vadd.f32 v35, v34  }
0x70: {  	v14 =	vmul.f32 v14, v14;
	v17 =	vld [tilespmem:s22+$0x10];
	v34 =	vsub.f32 v43, v4;
	v37 =	vsub.f32 v45, v3  }
0x71: {  	v15 =	vmul.f32 v15, v15;
	v26 =	vld [tilespmem:s22+$0xFFFFFFE0];
	v12 =	vadd.f32 v12, v36;
	v10 =	vadd.f32 v10, v20  }
0x72: {  	v24 =	vmul.f32 v24, v24;
	v30 =	vld [tilespmem:s22+$0xFFFFFFC0];
	v7 =	vadd.f32 v11, v7;
	v8 =	vadd.f32 v13, v8  }
0x73: {  	s29 =	simm.s32 $0x10;
	s24 =	simm.s32 $0x8C0;
	v11 =	vmul.f32 v25, v25;
	v20 =	vld [tilespmem:s22+$0xFFFFFFF0];
	v9 =	vadd.f32 v16, v9;
	v14 =	vadd.f32 v19, v14  }
0x74: {  	v13 =	vor.u32 s29, v1;
	v15 =	vadd.f32 v22, v15;
	v19 =	vld [tilespmem:s24+$0x30];
	v22 =	vadd.f32 v28, v24  }
0x75: {  	v11 =	vadd.f32 v12, v11;
	v24 =	vmin.f32 v38, v10;
	v28 =	vmin.f32 v40, v8  }
0x76: {  	v16 =	vld [tilespmem:s24+$0x20];
	v56 =	vmin.f32 v39, v7;
	v40 =	vsub.f32 v49, v3;
	v55 =	vmin.f32 v17, v9  }
0x77: {  	v8 =	vld [tilespmem:s24+$0x10];
	v22 =	vmin.f32 v30, v22;
	v26 =	vmin.f32 v26, v14;
	v30 =	vmin.f32 v54, v11  }
0x78: {  	v14 =	vld [tilespmem:s26+$0x20];
	vm5 =	vgt.f32 v22, v18;
	vm6 =	vgt.f32 v30, v18;
	v57 =	vmin.f32 v20, v15  }
0x79: {  	v17 =	vld [tilespmem:s26+$0x30];
	v7 =	vsel vm5, v22, v18;
	v12 =	vsel vm5, v23, v21;
	v58 =	vsub.f32 v19, v5  }
0x7a: {  	v61 =	vld [tilespmem:s24+$0xFFFFFFD0];
	v9 =	vsel vm6, v30, v18;
	v10 =	vsel vm6, v13, v21;
	vm5 =	vgt.f32 v26, v7  }
0x7b: {  	v11 =	vld [tilespmem:s25+$0x20];
	vm6 =	vgt.f32 v57, v9;
	v7 =	vsel vm5, v26, v7;
	v12 =	vsel vm5, v31, v12  }
0x7c: {  	[tilespmem:s22+$0xFFFFFFC0] =	vst v22;
	v15 =	vld [tilespmem:s25+$0x30];
	v31 =	vsub.f32 v16, v5;
	v59 =	vsub.f32 v8, v5;
	v22 =	vmul.f32 v58, v58  }
0x7d: {  	v20 =	vld [tilespmem:s24+$0xFFFFFFF0];
	v9 =	vsel vm6, v57, v9;
	v10 =	vsel vm6, v33, v10;
	vm5 =	vgt.f32 v28, v7  }
0x7e: {  	v41 =	vld [tilespmem:s25+$0xFFFFFFE0];
	s30 =	simm.s32 $0x70;
	v62 =	vsub.f32 v14, v4;
	v42 =	vsub.f32 v17, v4;
	vm6 =	vgt.f32 v55, v9  }
0x7f: {  	s29 =	simm.s32 $0xC0;
	v18 =	vld [tilespmem:s24+$0xFFFFFFE0];
	v7 =	vsel vm5, v28, v7;
	v23 =	vsel vm5, v27, v12;
	v27 =	vor.u32 s30, v1  }
0x80: {  	v25 =	vld [tilespmem:s24+$0x0];
	v60 =	vsub.f32 v11, v3;
	v11 =	vor.u32 s29, v1;
	v9 =	vsel vm6, v55, v9  }
0x81: {  	s31 =	simm.s32 $0xA0;
	v21 =	vld [tilespmem:s25+$0x0];
	v10 =	vsel vm6, v29, v10;
	vm5 =	vgt.f32 v24, v7;
	v63 =	vsub.f32 v15, v3  }
0x82: {  	[tilespmem:s22+$0x0] =	vst v28;
	v29 =	vld [tilespmem:s26+$0x0];
	v17 =	vsub.f32 v20, v5;
	v15 =	vor.u32 s31, v1;
	v20 =	vmul.f32 v59, v59  }
0x83: {  	[tilespmem:s22+$0xFFFFFFE0] =	vst v26;
	v16 =	vld [tilespmem:s24+$0xFFFFFFC0];
	v26 =	vmul.f32 v62, v62;
	v28 =	vmul.f32 v42, v42;
	vm6 =	vgt.f32 v56, v9  }
0x84: {  	v12 =	vsel vm5, v24, v7;
	v18 =	vsub.f32 v18, v5;
	v7 =	vsel vm6, v27, v10;
	v27 =	vld [tilespmem:s25+$0x10]  }
0x85: {  	v13 =	vsel vm6, v56, v9;
	v9 =	vsel vm5, v6, v23;
	v23 =	vsub.f32 v25, v5;
	v25 =	vld [tilespmem:s26+$0x10]  }
0x86: {  	s28 =	simm.s32 $0xE0;
	[tilespmem:s22+$0x20] =	vst v24;
	v44 =	vsub.f32 v21, v3;
	v21 =	vsub.f32 v61, v5;
	v24 =	vmul.f32 v31, v31  }
0x87: {  	s23 =	simm.s32 $0x80;
	v31 =	vsub.f32 v41, v3;
	v6 =	vor.u32 s28, v1;
	s28 =	simm.s32 $0xF0;
	v46 =	vsub.f32 v29, v4;
	v29 =	vld [tilespmem:s26+$0xFFFFFFF0]  }
0x88: {  	v35 =	vld [tilespmem:s26+$0xFFFFFFC0];
	v10 =	vor.u32 s23, v1;
	v19 =	vsub.f32 v16, v5;
	v8 =	vor.u32 s28, v1;
	s28 =	simm.s32 $0xD0  }
0x89: {  	v36 =	vld [tilespmem:s25+$0xFFFFFFD0];
	[tilespmem:s22+$0x30] =	vst v56;
	v14 =	vor.u32 s28, v1;
	v23 =	vmul.f32 v23, v23;
	v47 =	vsub.f32 v27, v3  }
0x8a: {  	v38 =	vld [tilespmem:s26+$0xFFFFFFD0];
	[tilespmem:s22+$0x10] =	vst v55;
	s28 =	simm.s32 $0xB0;
	v48 =	vsub.f32 v25, v4;
	v25 =	vmul.f32 v60, v60;
	v27 =	vmul.f32 v63, v63  }
0x8b: {  	[tilespmem:s22+$0xFFFFFFD0] =	vst v30;
	v16 =	vor.u32 s28, v1;
	v30 =	vmul.f32 v46, v46;
	v32 =	vmul.f32 v47, v47  }
0x8c: {  	[tilespmem:s22+$0xFFFFFFF0] =	vst v57;
	s28 =	simm.s32 $0x100;
	v33 =	vmul.f32 v48, v48;
	v39 =	vsub.f32 v29, v4;
	v29 =	vmul.f32 v44, v44  }
.LBB2_5:
0x8d: {  	p1 =	slt.u32 s28, $0x780;
	v35 =	vsub.f32 v35, v4;
	v31 =	vmul.f32 v31, v31;
	v34 =	vmul.f32 v34, v34;
	s22 =	sadd.s32 $0x80, s22  }
0x8e: {  	v37 =	vmul.f32 v37, v37;
	v39 =	vmul.f32 v39, v39;
	v36 =	vsub.f32 v36, v3;
	v41 =	vld [tilespmem:s22+$0x20]  }
0x8f: {  	v40 =	vmul.f32 v40, v40;
	v38 =	vsub.f32 v38, v4;
	v35 =	vmul.f32 v35, v35;
	v42 =	vld [tilespmem:s22+$0x30]  }
0x90: {  	v25 =	vadd.f32 v26, v25;
	v26 =	vadd.f32 v28, v27;
	v36 =	vmul.f32 v36, v36;
	v43 =	vld [tilespmem:s22+$0x0]  }
0x91: {  	v28 =	vadd.f32 v30, v29;
	v29 =	vadd.f32 v33, v32;
	v27 =	vmul.f32 v38, v38;
	v30 =	vld [tilespmem:s22+$0x10]  }
0x92: {  	v18 =	vmul.f32 v18, v18;
	v31 =	vadd.f32 v34, v31;
	v32 =	vadd.f32 v39, v37;
	v33 =	vld [tilespmem:s22+$0xFFFFFFE0]  }
0x93: {  	v17 =	vmul.f32 v17, v17;
	v34 =	vadd.f32 v35, v40;
	v27 =	vadd.f32 v27, v36;
	v35 =	vld [tilespmem:s22+$0xFFFFFFC0]  }
0x94: {  	v19 =	vmul.f32 v19, v19;
	v24 =	vadd.f32 v25, v24;
	v22 =	vadd.f32 v26, v22;
	v36 =	vld [tilespmem:s22+$0xFFFFFFD0]  }
0x95: {  	v21 =	vmul.f32 v21, v21;
	s29 =	sadd.s32 $0x10, s23;
	s24 =	sadd.s32 $0x80, s24;
	s23 =	smov.u32 s28;
	v23 =	vadd.f32 v28, v23;
	v20 =	vadd.f32 v29, v20;
	v25 =	vld [tilespmem:s22+$0xFFFFFFF0]  }
0x96: {  	v28 =	vor.u32 s29, v1;
	v18 =	vadd.f32 v31, v18;
	v17 =	vadd.f32 v32, v17;
	v26 =	vld [tilespmem:s24+$0x20]  }
0x97: {  	v19 =	vadd.f32 v34, v19;
	v24 =	vmin.f32 v41, v24;
	v21 =	vadd.f32 v27, v21;
	v29 =	vld [tilespmem:s24+$0x30]  }
0x98: {  	v22 =	vmin.f32 v42, v22;
	v23 =	vmin.f32 v43, v23;
	v20 =	vmin.f32 v30, v20;
	v27 =	vld [tilespmem:s24+$0x0];
	[tilespmem:s22+$0x20] =	vst v24  }
0x99: {  	s25 =	sadd.s32 $0x80, s25;
	v18 =	vmin.f32 v33, v18;
	v19 =	vmin.f32 v35, v19;
	v30 =	vld [tilespmem:s24+$0x10];
	v21 =	vmin.f32 v36, v21;
	[tilespmem:s22+$0x0] =	vst v23  }
0x9a: {  	s26 =	sadd.s32 $0x80, s26;
	vm5 =	vgt.f32 v19, v12;
	v31 =	vld [tilespmem:s25+$0x20];
	[tilespmem:s22+$0xFFFFFFC0] =	vst v19;
	vm6 =	vgt.f32 v21, v13;
	v17 =	vmin.f32 v25, v17  }
0x9b: {  	v12 =	vsel vm5, v19, v12;
	v25 =	vld [tilespmem:s26+$0x20];
	[tilespmem:s22+$0xFFFFFFD0] =	vst v21;
	v13 =	vsel vm6, v21, v13;
	v7 =	vsel vm6, v28, v7  }
0x9c: {  	v9 =	vsel vm5, v10, v9;
	vm5 =	vgt.f32 v18, v12;
	v19 =	vld [tilespmem:s25+$0x30];
	[tilespmem:s22+$0xFFFFFFE0] =	vst v18;
	vm6 =	vgt.f32 v17, v13  }
0x9d: {  	v10 =	vsel vm5, v18, v12;
	v21 =	vld [tilespmem:s26+$0x30];
	[tilespmem:s22+$0xFFFFFFF0] =	vst v17;
	v12 =	vsel vm6, v17, v13;
	v7 =	vsel vm6, v16, v7  }
0x9e: {  	v9 =	vsel vm5, v15, v9;
	vm5 =	vgt.f32 v23, v10;
	v16 =	vld [tilespmem:s24+$0xFFFFFFE0];
	[tilespmem:s22+$0x10] =	vst v20;
	vm6 =	vgt.f32 v20, v12  }
0x9f: {  	v10 =	vsel vm5, v23, v10;
	v15 =	vld [tilespmem:s24+$0xFFFFFFF0];
	v13 =	vsel vm6, v20, v12;
	v7 =	vsel vm6, v14, v7;
	[tilespmem:s22+$0x30] =	vst v22  }
0xa0: {  	v9 =	vsel vm5, v11, v9;
	vm5 =	vgt.f32 v24, v10;
	v14 =	vld [tilespmem:s25+$0x0];
	vm6 =	vgt.f32 v22, v13  }
0xa1: {  	v12 =	vsel vm5, v24, v10;
	v20 =	vld [tilespmem:s26+$0x0];
	v13 =	vsel vm6, v22, v13;
	v7 =	vsel vm6, v8, v7  }
0xa2: {  	v23 =	vsub.f32 v26, v5;
	v9 =	vsel vm5, v6, v9;
	v22 =	vld [tilespmem:s25+$0x10]  }
0xa3: {  	s29 =	sadd.s32 $0x60, s28;
	v26 =	vsub.f32 v27, v5;
	v27 =	vsub.f32 v29, v5;
	v10 =	vor.u32 s28, v1;
	v24 =	vld [tilespmem:s26+$0x10]  }
0xa4: {  	v29 =	vsub.f32 v30, v5;
	v30 =	vsub.f32 v31, v3;
	v6 =	vor.u32 s29, v1;
	s29 =	sadd.s32 $0x70, s28;
	v28 =	vld [tilespmem:s24+$0xFFFFFFC0]  }
0xa5: {  	s30 =	sadd.s32 $0x40, s28;
	v32 =	vsub.f32 v25, v4;
	v33 =	vsub.f32 v19, v3;
	v8 =	vor.u32 s29, v1;
	v31 =	vld [tilespmem:s24+$0xFFFFFFD0]  }
0xa6: {  	v11 =	vor.u32 s30, v1;
	s29 =	sadd.s32 $0x50, s28;
	v39 =	vsub.f32 v21, v4;
	v18 =	vsub.f32 v16, v5;
	v25 =	vld [tilespmem:s25+$0xFFFFFFE0]  }
0xa7: {  	s30 =	sadd.s32 $0x20, s28;
	v17 =	vsub.f32 v15, v5;
	v40 =	vsub.f32 v14, v3;
	v14 =	vor.u32 s29, v1;
	v34 =	vld [tilespmem:s26+$0xFFFFFFE0]  }
0xa8: {  	v15 =	vor.u32 s30, v1;
	s29 =	sadd.s32 $0x30, s28;
	v41 =	vsub.f32 v20, v4;
	v42 =	vsub.f32 v22, v3;
	v37 =	vld [tilespmem:s25+$0xFFFFFFF0]  }
0xa9: {  	v16 =	vor.u32 s29, v1;
	v44 =	vsub.f32 v24, v4;
	v19 =	vsub.f32 v28, v5;
	v43 =	vld [tilespmem:s26+$0xFFFFFFF0]  }
0xaa: {  	v22 =	vmul.f32 v27, v27;
	v24 =	vmul.f32 v23, v23;
	v45 =	vld [tilespmem:s25+$0xFFFFFFC0];
	v21 =	vsub.f32 v31, v5  }
.Ltmp5:
0xab: {  	v20 =	vmul.f32 v29, v29;
	v23 =	vmul.f32 v26, v26;
	v35 =	vld [tilespmem:s26+$0xFFFFFFC0];
	v31 =	vsub.f32 v25, v3;
	(pc) =	sbr.rel @p1 .LBB2_5-.Ltmp5, $4  }
0xac: {  	v26 =	vmul.f32 v32, v32;
	v25 =	vmul.f32 v30, v30;
	v36 =	vld [tilespmem:s25+$0xFFFFFFD0];
	v34 =	vsub.f32 v34, v4  }
0xad: {  	v27 =	vmul.f32 v33, v33;
	v28 =	vmul.f32 v39, v39;
	v38 =	vld [tilespmem:s26+$0xFFFFFFD0];
	v37 =	vsub.f32 v37, v3  }
0xae: {  	v29 =	vmul.f32 v40, v40;
	v30 =	vmul.f32 v41, v41;
	v39 =	vsub.f32 v43, v4  }
0xaf: {  	s28 =	sadd.s32 $0x80, s28;
	v32 =	vmul.f32 v42, v42;
	v33 =	vmul.f32 v44, v44;
	v40 =	vsub.f32 v45, v3  }
0xb0: {  	v31 =	vmul.f32 v31, v31  }
0xb1: {  	v5 =	vsub.f32 v35, v4;
	v34 =	vmul.f32 v34, v34;
	v41 =	vmul.f32 v37, v37  }
0xb2: {  	v42 =	vmul.f32 v39, v39;
	v3 =	vsub.f32 v36, v3;
	v4 =	vsub.f32 v38, v4  }
0xb3: {  	v25 =	vadd.f32 v26, v25;
	v44 =	vadd.f32 v28, v27;
	v43 =	vmul.f32 v40, v40  }
0xb4: {  	s22 =	sadd.s32 $0x80, s22;
	v45 =	vadd.f32 v30, v29;
	v3 =	vmul.f32 v3, v3;
	v4 =	vmul.f32 v4, v4  }
0xb5: {  	v46 =	vadd.f32 v33, v32;
	v49 =	vld [tilespmem:s22+$0xFFFFFFC0];
	v5 =	vmul.f32 v5, v5;
	v47 =	vadd.f32 v34, v31  }
0xb6: {  	v19 =	vmul.f32 v19, v19;
	v48 =	vadd.f32 v42, v41;
	v3 =	vadd.f32 v4, v3;
	v4 =	vld [tilespmem:s22+$0xFFFFFFD0]  }
0xb7: {  	v21 =	vmul.f32 v21, v21;
	v50 =	vld [tilespmem:s22+$0xFFFFFFE0];
	v24 =	vadd.f32 v25, v24;
	v5 =	vadd.f32 v5, v43  }
0xb8: {  	v18 =	vmul.f32 v18, v18;
	v51 =	vld [tilespmem:s22+$0xFFFFFFF0];
	v22 =	vadd.f32 v44, v22;
	v23 =	vadd.f32 v45, v23  }
0xb9: {  	v17 =	vmul.f32 v17, v17;
	v52 =	vld [tilespmem:s22+$0x0];
	v5 =	vadd.f32 v5, v19;
	v3 =	vadd.f32 v3, v21  }
0xba: {  	v53 =	vld [tilespmem:s22+$0x10];
	v20 =	vadd.f32 v46, v20;
	v18 =	vadd.f32 v47, v18  }
0xbb: {  	v54 =	vld [tilespmem:s22+$0x20];
	v17 =	vadd.f32 v48, v17;
	v5 =	vmin.f32 v49, v5;
	v3 =	vmin.f32 v4, v3  }
0xbc: {  	v18 =	vmin.f32 v50, v18;
	vm5 =	vgt.f32 v5, v12;
	v4 =	vld [tilespmem:s22+$0x30];
	vm6 =	vgt.f32 v3, v13  }
0xbd: {  	v17 =	vmin.f32 v51, v17;
	v12 =	vsel vm5, v5, v12;
	v13 =	vsel vm6, v3, v13  }
0xbe: {  	v23 =	vmin.f32 v52, v23;
	vm7 =	vgt.f32 v18, v12;
	vm8 =	vgt.f32 v17, v13  }
0xbf: {  	v19 =	vmin.f32 v53, v20;
	v12 =	vsel vm7, v18, v12;
	v13 =	vsel vm8, v17, v13  }
0xc0: {  	v55 =	vmin.f32 v54, v24;
	vm9 =	vgt.f32 v23, v12;
	vm10 =	vgt.f32 v19, v13  }
0xc1: {  	v12 =	vsel vm9, v23, v12;
	v4 =	vmin.f32 v4, v22;
	v13 =	vsel vm10, v19, v13  }
0xc2: {  	vm11 =	vgt.f32 v55, v12;
	vm12 =	vgt.f32 v4, v13  }
0xc3: {  	v12 =	vsel vm11, v55, v12;
	v13 =	vsel vm12, v4, v13  }
0xc4: {  	v56 =	vmax.f32 v12, v13  }
0xc5: {  	s23 =	sadd.s32 $0x10, s23;
	(xrf0) =	vmax.scan.msk.f32 $0xffff, v56  }
0xc6: {  	v57 =	vor.u32 s23, v1;
	v9 =	vsel vm5, v10, v9  }
0xc7: {  	v9 =	vsel vm7, v15, v9;
	v7 =	vsel vm6, v57, v7  }
0xc8: {  	v9 =	vsel vm9, v11, v9;
	v7 =	vsel vm8, v16, v7  }
0xc9: {  	v6 =	vsel vm11, v6, v9;
	v7 =	vsel vm10, v14, v7  }
0xca: {  	v7 =	vsel vm12, v8, v7;
	vm5 =	veq.f32 v12, v56;
	vm6 =	veq.f32 v13, v56  }
0xcb: {  	v6 =	vnsel vm5, $0x40000000, v6;
	v7 =	vnsel vm6, $0x40000000, v7;
	v58, _, _ =	vpop (xrf0)  }
0xcc: {  	vm5 =	vlt.s32 v6, v7;
	v8 =	vbroadcast v58, $0xF  }
0xcd: {  	v6 =	vsel vm5, v6, v7  }
0xce: {  	v6 =	vxor.u32 $0x80000000, v6;
	vm5 =	veq.f32 v56, v8  }
0xcf: {  	v6 =	vnsel vm5, $0xC0000000, v6  }
0xd0: {  	(xrf0) =	vmin.scan.msk.u32 $0xffff, v6;
	_ =	sdelay $0x5  }
0xd1: {  	v6, _, _ =	vpop (xrf0)  }
0xd2: {  	(v2sf) =	vpush v6, $0xF;
	_ =	sdelay $0xe  }
0xd3: {  	[tilespmem:s22+$0x20] =	vst v55;
	s29 =	spop (v2sf)  }
0xd4: {  	[tilespmem:s22+$0x0] =	vst v23;
	s23 =	sxor.u32 $0x80000000, s29  }
0xd5: {  	[tilespmem:s22+$0xFFFFFFE0] =	vst v18;
	s24 =	ssub.s32 s23, s3  }
0xd6: {  	[tilespmem:s22+$0xFFFFFFC0] =	vst v5;
	v5 =	vmov s24  }
0xd7: {  	[tilespmem:s22+$0xFFFFFFF0] =	vst v17  }
0xd8: {  	[tilespmem:s22+$0x10] =	vst v19  }
0xd9: {  	[tilespmem:s22+$0xFFFFFFD0] =	vst v3  }
0xda: {  	[tilespmem:s22+$0x30] =	vst v4  }
0xdb: {  	v3 =	vld.idx.msk [tilespmem:v5+s15+$0x0], $0xffff  }
0xdc: {  	v4 =	vld.idx.msk [tilespmem:v5+s16+$0x0], $0xffff  }
0xdd: {  	v5 =	vld.idx.msk [tilespmem:v5+s1+$0x0], $0xffff;
	_ =	sdelay $0x3  }
0xde: {  	s30 =	scvt.s32.f32 s23;
	v3 =	vsel vm2, v4, v3  }
0xdf: {  	vm5 =	veq.s32 v0, $0x1;
	v3 =	vsel vm3, v3, v5  }
0xe0: {  	v3 =	vsel vm5, s30, v3  }
0xe1: {  	v3 =	vsel vm4, v8, v3  }
0xe2: {  	[tilespmem:$0x2000] =	vst v3  }
0xe3: {  	[spmem:s10] =	stream.linear.scatter [tilespmem:s17], [sflag:$0x1], $0x10, $0x38;
	[tilespmem:$0xA0A0] =	vst v63  }
0xe4: {  	_ =	swait.ge [sflag:s14], $0x10  }
0xe5: {  	[sflag:s14] =	ssyncset.done $0x0  }
0xe6: {  	[sflag:s14] =	ssyncadd.s32 $0xFFFFFFF0  }
0xe7: {  	[bflag:$0x0] =	sbarrier.arrive $0xFFFF  }
0xe8: {  	[tilespmem:s18], [sflag:$0x1] =	stream.linear.gather [spmem:s11], $0x80, $0x38;
	[tilespmem:$0xA0A0] =	vst v63  }
0xe9: {  	_ =	swait.ge [sflag:s14], $0x80  }
0xea: {  	[sflag:s14] =	ssyncset.done $0x0  }
0xeb: {  	[sflag:s14] =	ssyncadd.s32 $0xFFFFFF80  }
0xec: {  	v3 =	vld [tilespmem:$0x2010]  }
0xed: {  	v4 =	vld [tilespmem:$0x2020];
	_ =	sdelay $0x2  }
0xee: {  	v5 =	vld [tilespmem:$0x2030]  }
0xef: {  	(v2sf) =	vpush v3, $0x0  }
0xf0: {  	(v2sf) =	vpush v4, $0x0  }
0xf1: {  	v59 =	vld [tilespmem:$0x2040];
	_ =	sdelay $0x1  }
0xf2: {  	(v2sf) =	vpush v5, $0x0  }
0xf3: {  	v60 =	vld [tilespmem:$0x2050];
	_ =	sdelay $0x1  }
0xf4: {  	(v2sf) =	vpush v59, $0x0  }
0xf5: {  	v61 =	vld [tilespmem:$0x2060];
	_ =	sdelay $0x1  }
0xf6: {  	(v2sf) =	vpush v60, $0x0  }
0xf7: {  	v62 =	vld [tilespmem:$0x2070];
	_ =	sdelay $0x1  }
0xf8: {  	(v2sf) =	vpush v61, $0x0  }
0xf9: {  	v63 =	vld [tilespmem:$0x2080]  }
0xfa: {  	s22 =	spop (v2sf)  }
0xfb: {  	(v2sf) =	vpush v62, $0x0;
	s23 =	spop (v2sf)  }
0xfc: {  	p1 =	sgt.f32 s23, s22;
	_ =	sdelay $0x1  }
0xfd: {  	(v2sf) =	vpush v63, $0x0;
	s22 =	smov.u32 @p1 s23;
	s23 =	spop (v2sf)  }
0xfe: {  	p2 =	sgt.f32 s23, s22;
	_ =	sdelay $0x1  }
0xff: {  	s22 =	smov.u32 @p2 s23;
	s23 =	spop (v2sf)  }
0x100: {  	p3 =	sgt.f32 s23, s22;
	_ =	sdelay $0x1  }
0x101: {  	s22 =	smov.u32 @p3 s23;
	s23 =	spop (v2sf)  }
0x102: {  	p4 =	sgt.f32 s23, s22;
	_ =	sdelay $0x1  }
0x103: {  	s22 =	smov.u32 @p4 s23;
	s23 =	spop (v2sf)  }
0x104: {  	p5 =	sgt.f32 s23, s22;
	_ =	sdelay $0x1  }
0x105: {  	v3 =	vpsel p1, v4, v3;
	s22 =	smov.u32 @p5 s23;
	s23 =	spop (v2sf)  }
0x106: {  	v3 =	vpsel p2, v5, v3;
	p1 =	sgt.f32 s23, s22  }
.Ltmp6:
0x107: {  	v3 =	vpsel p3, v59, v3;
	(pc) =	sbr.rel @!p0 .LBB2_7-.Ltmp6, $4  }
0x108: {  	v3 =	vpsel p4, v60, v3;
	s31 =	spop (v2sf);
	s22 =	smov.u32 @p1 s23  }
0x109: {  	v3 =	vpsel p5, v61, v3;
	p6 =	sgt.f32 s31, s22  }
0x10a: {  	v3 =	vpsel p1, v62, v3  }
0x10b: {  	v3 =	vpsel p6, v63, v3  }
0x10c: {  	(v2sf) =	vpush v3, $0x2  }
0x10d: {  	(v2sf) =	vpush v3, $0x3  }
0x10e: {  	(v2sf) =	vpush v3, $0x4;
	_ =	sdelay $0x8  }
0x10f: {  	s21 =	sadd.s32 $0x1, s21  }
0x110: {  	p1 =	seq.s32 s21, $0x800  }
.Ltmp7:
0x111: {  	_ = 	snop;
	(pc) =	sbr.rel @!p1 .LBB2_4-.Ltmp7, $4  }
.Ltmp8:
0x112: {  	_ = 	snop;
	(pc) =	sbr.rel @p1 .LBB2_9-.Ltmp8, $4  }
0x113: {  	s22 =	spop (v2sf)  }
0x114: {  	s23 =	spop (v2sf)  }
0x115: {  	s24 =	spop (v2sf)  }
0x116: {  	_ = 	snop  }
.LBB2_10:
0x117: {  	_ =	sfence.sel $0x180000  }
0x118: {  	[bflag:$0x0] =	sbarrier.arrive $0xFFFF  }
0x119: {  	p0 =	sne.s32 s2, $0x0;
	_ =	strace $0x90000047  }
0x11a: {  	s0 =	sadd.s32 @!p0 $0x100000, s0;
	[bflag:$0x2] =	sbarrier.arrive $0xFFFF  }
0x11b: {  	[sflag:s0] =	ssyncadd.tile.s32 @!p0 $0x1;
	_ =	shalt  }
.Lfunc_end2:
_tile_overlayer_lowered:
.L_overlay_start_2:
0x11c: {  	(tag) =	ssettag $0x2  }
0x11d: {  	s0 =	rddreg [dreg:$0x0];
	s2 =	stileid.u32  }
0x11e: {  	s1 =	rddreg [dreg:$0x1];
	p0 =	sne.s32 s2, $0x0  }
0x11f: {  	s3 =	rddreg [dreg:$0x2];
	[bflag:$0x3] =	sbarrier.arrive $0xFFFF;
	s2 =	simm.s32 @!p0 $0x1C01  }
0x120: {  	[timem:s3], [sflag:s2] =	dma.local @!p0 [hbm:s0], s1  }
0x121: {  	s0 =	simm.s32 @!p0 $0x1  }
0x122: {  	_ =	swait.ge @!p0 [sflag:s0], s1  }
0x123: {  	s1 =	ssub.s32 @!p0 $0x0, s1;
	[sflag:s0] =	ssyncset.done @!p0 $0x0  }
0x124: {  	[sflag:s0] =	ssyncadd.s32 @!p0 s1  }
0x125: {  	[bflag:$0x3] =	sbarrier.arrive $0xFFFF  }
0x126: {  	_ =	shalt  }

</sc_bundles>
